<compile_context>
chip_gen: v7x
topology: tpu7x:2x2x1
jax: 0.10.2.dev20260603
libtpu: 0.0.44.dev20260713+nightly
codegen_flags: <defaults>
</compile_context>

<pallas_src>
import jax
import jax.numpy as jnp
from jax import lax
from jax.experimental import pallas as pl
from jax.experimental.pallas import tpu as pltpu
from jax.experimental.pallas import tpu_sc as plsc

GS = 128
F = 32
N = 2000000
V = GS * GS * GS

NC = 2
NS = 16
NW = NC * NS

C = 640
NIDX = C // 128
NCHUNKS = N // C
NMAXH = (NCHUNKS + 2 * NW - 1) // (2 * NW)

YB = 128
PB = 16000
NPB = N // PB
CPB = PB // C

_RND = 8388608.0


def _tr_body(g_ref, t_ref):
    for yq in range(YB // 4):
        parts = [
            jnp.transpose(g_ref[0, yq * 4 + p], (1, 0)) for p in range(4)
        ]
        t_ref[yq] = jnp.concatenate(parts, axis=1)


def _idx_body(p_ref, o_ref):
    def rnd(t):
        t = jnp.clip(t * (GS - 1.0), 0.0, GS - 1.0)
        return (t + _RND) - _RND

    x = rnd(p_ref[0:1, :])
    y = rnd(p_ref[1:2, :])
    z = rnd(p_ref[2:3, :])
    yq = jnp.floor(y * 0.25)
    yr = y - yq * 4.0
    o_ref[0] = (x * 16384.0 + yq * 512.0 + z * 4.0 + yr).astype(jnp.int32)


def _sc_body(idx_hbm, table_hbm, out_hbm, idx_v, rows_v,
             si0, si1, sg0, sg1, so0, so1):
    wid = lax.axis_index("s") * NC + lax.axis_index("c")
    sem_in = (si0, si1)
    sem_g = (sg0, sg1)
    sem_out = (so0, so1)

    def in_copy(k, s):
        c = wid + k * NW
        return pltpu.make_async_copy(
            idx_hbm.at[c // CPB, 0, pl.ds((c % CPB) * C, C)],
            idx_v.at[s],
            sem_in[s],
        )

    def gather_copies(s):
        return [
            pltpu.make_async_copy(
                table_hbm.at[idx_v.at[s, pl.ds(j * 128, 128)]],
                rows_v.at[s, pl.ds(j * 128, 128)],
                sem_g[s],
            )
            for j in range(NIDX)
        ]

    def out_copy(k, s):
        return pltpu.make_async_copy(
            rows_v.at[s], out_hbm.at[pl.ds((wid + k * NW) * C, C)], sem_out[s]
        )

    def drain_out(s):
        pltpu.make_async_copy(
            out_hbm.at[pl.ds(0, C)], rows_v.at[s], sem_out[s]
        ).wait()

    def valid(k):
        return wid + k * NW < NCHUNKS

    in_copy(0, 0).start()
    in_copy(1, 1).start()

    def outer(io, carry):
        for b in range(2):
            k = io * 2 + b

            @pl.when(valid(k))
            def _():
                in_copy(k, b).wait()

                @pl.when(io > 0)
                def _():
                    drain_out(b)

                for cp in gather_copies(b):
                    cp.start()
                for cp in gather_copies(b):
                    cp.wait()

                @pl.when(valid(k + 2))
                def _():
                    in_copy(k + 2, b).start()

                out_copy(k, b).start()

        return carry

    lax.fori_loop(0, NMAXH, outer, 0)

    for b in range(2):
        drain_out(b)


def _run(points, grid):
    g2 = jnp.transpose(grid, (0, 1, 3, 2))
    pts_t = jnp.transpose(points, (1, 0))

    table = pl.pallas_call(
        _tr_body,
        grid=(GS, GS // YB),
        in_specs=[
            pl.BlockSpec((1, YB, F, GS), lambda i, j: (i, j, 0, 0)),
        ],
        out_specs=pl.BlockSpec(
            (YB // 4, GS, 4 * F), lambda i, j: (i * (GS // YB) + j, 0, 0)
        ),
        out_shape=jax.ShapeDtypeStruct((GS * GS // 4, GS, 4 * F), jnp.float32),
    )(g2)
    table = table.reshape(V, F)

    idx = pl.pallas_call(
        _idx_body,
        grid=(NPB,),
        in_specs=[pl.BlockSpec((3, PB), lambda i: (0, i))],
        out_specs=pl.BlockSpec((1, 1, PB), lambda i: (i, 0, 0)),
        out_shape=jax.ShapeDtypeStruct((NPB, 1, PB), jnp.int32),
    )(pts_t)

    mesh = plsc.VectorSubcoreMesh(core_axis_name="c", subcore_axis_name="s")
    run = pl.kernel(
        _sc_body,
        out_type=jax.ShapeDtypeStruct((N, F), jnp.float32),
        mesh=mesh,
        compiler_params=pltpu.CompilerParams(
            needs_layout_passes=False, use_tc_tiling_on_sc=False
        ),
        scratch_types=[
            pltpu.VMEM((2, C), jnp.int32),
            pltpu.VMEM((2, C, F), jnp.float32),
            pltpu.SemaphoreType.DMA,
            pltpu.SemaphoreType.DMA,
            pltpu.SemaphoreType.DMA,
            pltpu.SemaphoreType.DMA,
            pltpu.SemaphoreType.DMA,
            pltpu.SemaphoreType.DMA,
        ],
    )
    return run(idx, table)


_run_jit = jax.jit(_run)


def kernel(points, grid):
    return _run_jit(points, grid)

# --- scband reference (transcript-rebuilt; emitter-appended) ---
"""Pipeline reference for scband-feature-grid-90563680404189 (READ-ONLY COPY).

The authoritative reference and input builder live on the scoring server;
editing this copy changes nothing except your own understanding.
"""

import jax, jax.numpy as jnp
import numpy as np

GRID_SIZE = 128
FEATURE_SIZE = 32
N_POINTS = 2000000


def setup_inputs(seed: int = 0) -> dict:
    key = jax.random.key(seed)
    k_pts, k_grid = jax.random.split(key)
    points = jax.random.uniform(k_pts, (N_POINTS, 3), dtype=jnp.float32)
    grid = jax.random.normal(k_grid, (GRID_SIZE, GRID_SIZE, GRID_SIZE, FEATURE_SIZE), dtype=jnp.float32)
    return {"points": points, "grid": grid}


def reference(points, grid):
    gs = grid.shape[0]
    p = points * (gs - 1)
    p = jnp.clip(p, 0.0, gs - 1)
    idx = jnp.round(p).astype(jnp.int32)
    features = grid[idx[:, 0], idx[:, 1], idx[:, 2]]
    return features

if __name__ == "__main__":
    import jax
    _d = setup_inputs()
    print(jax.jit(kernel)(*tuple(_d.values())))

</pallas_src>

<mosaic_0001>
#map = affine_map<(d0, d1) -> (0, 0, 0)>
#map1 = affine_map<(d0, d1) -> (0, 0)>
module attributes {stable_mosaic.version = 14 : i64} {
  func.func @_sc_body(%arg0: i32, %arg1: i32, %arg2: memref<125x1x16000xi32, #tpu.memory_space<hbm>>, %arg3: memref<2097152x32xf32, #tpu.memory_space<hbm>>, %arg4: memref<2000000x32xf32, #tpu.memory_space<hbm>>, %arg5: memref<2x640xi32, #tpu.memory_space<vmem>>, %arg6: memref<2x640x32xf32, #tpu.memory_space<vmem>>, %arg7: memref<!tpu.dma_semaphore, #tpu.memory_space<semaphore_mem>>, %arg8: memref<!tpu.dma_semaphore, #tpu.memory_space<semaphore_mem>>, %arg9: memref<!tpu.dma_semaphore, #tpu.memory_space<semaphore_mem>>, %arg10: memref<!tpu.dma_semaphore, #tpu.memory_space<semaphore_mem>>, %arg11: memref<!tpu.dma_semaphore, #tpu.memory_space<semaphore_mem>>, %arg12: memref<!tpu.dma_semaphore, #tpu.memory_space<semaphore_mem>>) attributes {dimension_semantics = [#tpu.dimension_semantics<core_parallel>, #tpu.dimension_semantics<subcore_parallel>], iteration_bounds = array<i64: 2, 16>, scalar_prefetch = 0 : i64, scratch_operands = 8 : i64, tpu.core_type = #tpu.core_type<sc_vector_subcore>, window_params = [{transform_indices = #map}, {transform_indices = #map1}, {transform_indices = #map1}]} {
    %mul3A = arith.constant 2 : i32
    %mul3A_0 = arith.muli %arg1, %mul3A : i32
    %add3A = arith.addi %mul3A_0, %arg0 : i32
    %add3A_1 = arith.constant 0 : i32
    %add3A_2 = arith.addi %add3A, %add3A_1 : i32
    %jit3A = arith.constant 25 : i32
    %div3A = arith.divsi %add3A_2, %jit3A : i32
    %sign3A = arith.constant 0 : i32
    %sign3A_3 = arith.cmpi sgt, %add3A_2, %sign3A : i32
    %sign3A_4 = arith.extui %sign3A_3 : i1 to i32
    %sign3A_5 = arith.constant 0 : i32
    %sign3A_6 = arith.cmpi slt, %add3A_2, %sign3A_5 : i32
    %sign3A_7 = arith.extui %sign3A_6 : i1 to i32
    %sign3A_8 = arith.subi %sign3A_4, %sign3A_7 : i32
    %sign3A_9 = arith.constant 0 : i32
    %sign3A_10 = arith.cmpi sgt, %jit3A, %sign3A_9 : i32
    %sign3A_11 = arith.extui %sign3A_10 : i1 to i32
    %sign3A_12 = arith.constant 0 : i32
    %sign3A_13 = arith.cmpi slt, %jit3A, %sign3A_12 : i32
    %sign3A_14 = arith.extui %sign3A_13 : i1 to i32
    %sign3A_15 = arith.subi %sign3A_11, %sign3A_14 : i32
    %ne3A = arith.cmpi ne, %sign3A_8, %sign3A_15 : i32
    %rem3A = arith.remsi %add3A_2, %jit3A : i32
    %ne3A_16 = arith.constant 0 : i32
    %ne3A_17 = arith.cmpi ne, %rem3A, %ne3A_16 : i32
    %and3A = arith.andi %ne3A, %ne3A_17 : i1
    %sub3A = arith.constant 1 : i32
    %sub3A_18 = arith.subi %div3A, %sub3A : i32
    %select_n3A = arith.select %and3A, %sub3A_18, %div3A : i32
    %jit3A_19 = arith.constant 25 : i32
    %eq3A = arith.constant 0 : i32
    %eq3A_20 = arith.cmpi eq, %jit3A_19, %eq3A : i32
    %jit3A_21 = arith.constant 1 : i32
    %select_n3A_22 = arith.select %eq3A_20, %jit3A_21, %jit3A_19 : i32
    %rem3A_23 = arith.remsi %add3A_2, %select_n3A_22 : i32
    %ne3A_24 = arith.constant 0 : i32
    %ne3A_25 = arith.cmpi ne, %rem3A_23, %ne3A_24 : i32
    %lt3A = arith.constant 0 : i32
    %lt3A_26 = arith.cmpi slt, %rem3A_23, %lt3A : i32
    %lt3A_27 = arith.constant 0 : i32
    %lt3A_28 = arith.cmpi slt, %select_n3A_22, %lt3A_27 : i32
    %ne3A_29 = arith.xori %lt3A_26, %lt3A_28 : i1
    %and3A_30 = arith.andi %ne3A_29, %ne3A_25 : i1
    %add3A_31 = arith.addi %rem3A_23, %select_n3A_22 : i32
    %select_n3A_32 = arith.select %and3A_30, %add3A_31, %rem3A_23 : i32
    %mul3A_33 = arith.constant 640 : i32
    %mul3A_34 = arith.muli %select_n3A_32, %mul3A_33 : i32
    %dma_start3A = arith.constant 0 : i32
    %dma_start3A_35 = arith.constant 0 : i32
    %dma_start3A_36 = arith.constant 0 : i32
    %dma_start3A_37 = tpu.memref_slice %arg5[%dma_start3A_35, %dma_start3A_36] : memref<2x640xi32, #tpu.memory_space<vmem>> -> memref<1x640xi32, #tpu.memory_space<vmem>>
    %dma_start3A_38 = tpu.memref_squeeze %dma_start3A_37 : memref<1x640xi32, #tpu.memory_space<vmem>> -> memref<640xi32, #tpu.memory_space<vmem>>
    %dma_start3A_39 = tpu.memref_slice %arg2[%select_n3A, %dma_start3A, %mul3A_34] : memref<125x1x16000xi32, #tpu.memory_space<hbm>> -> memref<1x1x640xi32, #tpu.memory_space<hbm>>
    %dma_start3A_40 = tpu.memref_squeeze %dma_start3A_39 : memref<1x1x640xi32, #tpu.memory_space<hbm>> -> memref<640xi32, #tpu.memory_space<hbm>>
    %dma_start3A_41 = arith.constant 0 : i32
    %dma_start3A_42 = tpu.memref_slice %arg5[%dma_start3A_35, %dma_start3A_41] : memref<2x640xi32, #tpu.memory_space<vmem>> -> memref<1x640xi32, #tpu.memory_space<vmem>>
    %dma_start3A_43 = tpu.memref_squeeze %dma_start3A_42 : memref<1x640xi32, #tpu.memory_space<vmem>> -> memref<640xi32, #tpu.memory_space<vmem>>
    %dma_start3A_44 = tpu.memref_slice %arg2[%select_n3A, %dma_start3A, %mul3A_34] : memref<125x1x16000xi32, #tpu.memory_space<hbm>> -> memref<1x1x640xi32, #tpu.memory_space<hbm>>
    %dma_start3A_45 = tpu.memref_squeeze %dma_start3A_44 : memref<1x1x640xi32, #tpu.memory_space<hbm>> -> memref<640xi32, #tpu.memory_space<hbm>>
    tpu.enqueue_dma source(%dma_start3A_45 : memref<640xi32, #tpu.memory_space<hbm>>) target(%dma_start3A_43 : memref<640xi32, #tpu.memory_space<vmem>>) target_semaphore(%arg7 : memref<!tpu.dma_semaphore, #tpu.memory_space<semaphore_mem>>)
    %add3A_46 = arith.constant 32 : i32
    %add3A_47 = arith.addi %add3A, %add3A_46 : i32
    %jit3A_48 = arith.constant 25 : i32
    %div3A_49 = arith.divsi %add3A_47, %jit3A_48 : i32
    %sign3A_50 = arith.constant 0 : i32
    %sign3A_51 = arith.cmpi sgt, %add3A_47, %sign3A_50 : i32
    %sign3A_52 = arith.extui %sign3A_51 : i1 to i32
    %sign3A_53 = arith.constant 0 : i32
    %sign3A_54 = arith.cmpi slt, %add3A_47, %sign3A_53 : i32
    %sign3A_55 = arith.extui %sign3A_54 : i1 to i32
    %sign3A_56 = arith.subi %sign3A_52, %sign3A_55 : i32
    %sign3A_57 = arith.constant 0 : i32
    %sign3A_58 = arith.cmpi sgt, %jit3A_48, %sign3A_57 : i32
    %sign3A_59 = arith.extui %sign3A_58 : i1 to i32
    %sign3A_60 = arith.constant 0 : i32
    %sign3A_61 = arith.cmpi slt, %jit3A_48, %sign3A_60 : i32
    %sign3A_62 = arith.extui %sign3A_61 : i1 to i32
    %sign3A_63 = arith.subi %sign3A_59, %sign3A_62 : i32
    %ne3A_64 = arith.cmpi ne, %sign3A_56, %sign3A_63 : i32
    %rem3A_65 = arith.remsi %add3A_47, %jit3A_48 : i32
    %ne3A_66 = arith.constant 0 : i32
    %ne3A_67 = arith.cmpi ne, %rem3A_65, %ne3A_66 : i32
    %and3A_68 = arith.andi %ne3A_64, %ne3A_67 : i1
    %sub3A_69 = arith.constant 1 : i32
    %sub3A_70 = arith.subi %div3A_49, %sub3A_69 : i32
    %select_n3A_71 = arith.select %and3A_68, %sub3A_70, %div3A_49 : i32
    %jit3A_72 = arith.constant 25 : i32
    %eq3A_73 = arith.constant 0 : i32
    %eq3A_74 = arith.cmpi eq, %jit3A_72, %eq3A_73 : i32
    %jit3A_75 = arith.constant 1 : i32
    %select_n3A_76 = arith.select %eq3A_74, %jit3A_75, %jit3A_72 : i32
    %rem3A_77 = arith.remsi %add3A_47, %select_n3A_76 : i32
    %ne3A_78 = arith.constant 0 : i32
    %ne3A_79 = arith.cmpi ne, %rem3A_77, %ne3A_78 : i32
    %lt3A_80 = arith.constant 0 : i32
    %lt3A_81 = arith.cmpi slt, %rem3A_77, %lt3A_80 : i32
    %lt3A_82 = arith.constant 0 : i32
    %lt3A_83 = arith.cmpi slt, %select_n3A_76, %lt3A_82 : i32
    %ne3A_84 = arith.xori %lt3A_81, %lt3A_83 : i1
    %and3A_85 = arith.andi %ne3A_84, %ne3A_79 : i1
    %add3A_86 = arith.addi %rem3A_77, %select_n3A_76 : i32
    %select_n3A_87 = arith.select %and3A_85, %add3A_86, %rem3A_77 : i32
    %mul3A_88 = arith.constant 640 : i32
    %mul3A_89 = arith.muli %select_n3A_87, %mul3A_88 : i32
    %dma_start3A_90 = arith.constant 0 : i32
    %dma_start3A_91 = arith.constant 1 : i32
    %dma_start3A_92 = arith.constant 0 : i32
    %dma_start3A_93 = tpu.memref_slice %arg5[%dma_start3A_91, %dma_start3A_92] : memref<2x640xi32, #tpu.memory_space<vmem>> -> memref<1x640xi32, #tpu.memory_space<vmem>>
    %dma_start3A_94 = tpu.memref_squeeze %dma_start3A_93 : memref<1x640xi32, #tpu.memory_space<vmem>> -> memref<640xi32, #tpu.memory_space<vmem>>
    %dma_start3A_95 = tpu.memref_slice %arg2[%select_n3A_71, %dma_start3A_90, %mul3A_89] : memref<125x1x16000xi32, #tpu.memory_space<hbm>> -> memref<1x1x640xi32, #tpu.memory_space<hbm>>
    %dma_start3A_96 = tpu.memref_squeeze %dma_start3A_95 : memref<1x1x640xi32, #tpu.memory_space<hbm>> -> memref<640xi32, #tpu.memory_space<hbm>>
    %dma_start3A_97 = arith.constant 0 : i32
    %dma_start3A_98 = tpu.memref_slice %arg5[%dma_start3A_91, %dma_start3A_97] : memref<2x640xi32, #tpu.memory_space<vmem>> -> memref<1x640xi32, #tpu.memory_space<vmem>>
    %dma_start3A_99 = tpu.memref_squeeze %dma_start3A_98 : memref<1x640xi32, #tpu.memory_space<vmem>> -> memref<640xi32, #tpu.memory_space<vmem>>
    %dma_start3A_100 = tpu.memref_slice %arg2[%select_n3A_71, %dma_start3A_90, %mul3A_89] : memref<125x1x16000xi32, #tpu.memory_space<hbm>> -> memref<1x1x640xi32, #tpu.memory_space<hbm>>
    %dma_start3A_101 = tpu.memref_squeeze %dma_start3A_100 : memref<1x1x640xi32, #tpu.memory_space<hbm>> -> memref<640xi32, #tpu.memory_space<hbm>>
    tpu.enqueue_dma source(%dma_start3A_101 : memref<640xi32, #tpu.memory_space<hbm>>) target(%dma_start3A_99 : memref<640xi32, #tpu.memory_space<vmem>>) target_semaphore(%arg8 : memref<!tpu.dma_semaphore, #tpu.memory_space<semaphore_mem>>)
    %scan3A = arith.constant 0 : i32
    %scan3A_102 = arith.constant 0 : i32
    %scan3A_103 = arith.constant 49 : i32
    %scan3A_104 = arith.addi %scan3A_102, %scan3A_103 : i32
    %scan3A_105 = arith.constant 1 : i32
    scf.for %scan3A_136 = %scan3A_102 to %scan3A_104 step %scan3A_105  : i32 {
      %mul3A_137 = arith.constant 2 : i32
      %mul3A_138 = arith.muli %scan3A_136, %mul3A_137 : i32
      %add3A_139 = arith.constant 0 : i32
      %add3A_140 = arith.addi %mul3A_138, %add3A_139 : i32
      %mul3A_141 = arith.constant 32 : i32
      %mul3A_142 = arith.muli %add3A_140, %mul3A_141 : i32
      %add3A_143 = arith.addi %add3A, %mul3A_142 : i32
      %lt3A_144 = arith.constant 3125 : i32
      %lt3A_145 = arith.cmpi slt, %add3A_143, %lt3A_144 : i32
      %convert_element_type3A = arith.extui %lt3A_145 : i1 to i32
      %cond3A = arith.constant 0 : i32
      %cond3A_146 = arith.cmpi ne, %convert_element_type3A, %cond3A : i32
      scf.if %cond3A_146 {
        %mul3A_159 = arith.constant 32 : i32
        %mul3A_160 = arith.muli %add3A_140, %mul3A_159 : i32
        %add3A_161 = arith.addi %add3A, %mul3A_160 : i32
        %jit3A_162 = arith.constant 25 : i32
        %div3A_163 = arith.divsi %add3A_161, %jit3A_162 : i32
        %sign3A_164 = arith.constant 0 : i32
        %sign3A_165 = arith.cmpi sgt, %add3A_161, %sign3A_164 : i32
        %sign3A_166 = arith.extui %sign3A_165 : i1 to i32
        %sign3A_167 = arith.constant 0 : i32
        %sign3A_168 = arith.cmpi slt, %add3A_161, %sign3A_167 : i32
        %sign3A_169 = arith.extui %sign3A_168 : i1 to i32
        %sign3A_170 = arith.subi %sign3A_166, %sign3A_169 : i32
        %sign3A_171 = arith.constant 0 : i32
        %sign3A_172 = arith.cmpi sgt, %jit3A_162, %sign3A_171 : i32
        %sign3A_173 = arith.extui %sign3A_172 : i1 to i32
        %sign3A_174 = arith.constant 0 : i32
        %sign3A_175 = arith.cmpi slt, %jit3A_162, %sign3A_174 : i32
        %sign3A_176 = arith.extui %sign3A_175 : i1 to i32
        %sign3A_177 = arith.subi %sign3A_173, %sign3A_176 : i32
        %ne3A_178 = arith.cmpi ne, %sign3A_170, %sign3A_177 : i32
        %rem3A_179 = arith.remsi %add3A_161, %jit3A_162 : i32
        %ne3A_180 = arith.constant 0 : i32
        %ne3A_181 = arith.cmpi ne, %rem3A_179, %ne3A_180 : i32
        %and3A_182 = arith.andi %ne3A_178, %ne3A_181 : i1
        %sub3A_183 = arith.constant 1 : i32
        %sub3A_184 = arith.subi %div3A_163, %sub3A_183 : i32
        %select_n3A_185 = arith.select %and3A_182, %sub3A_184, %div3A_163 : i32
        %jit3A_186 = arith.constant 25 : i32
        %eq3A_187 = arith.constant 0 : i32
        %eq3A_188 = arith.cmpi eq, %jit3A_186, %eq3A_187 : i32
        %jit3A_189 = arith.constant 1 : i32
        %select_n3A_190 = arith.select %eq3A_188, %jit3A_189, %jit3A_186 : i32
        %rem3A_191 = arith.remsi %add3A_161, %select_n3A_190 : i32
        %ne3A_192 = arith.constant 0 : i32
        %ne3A_193 = arith.cmpi ne, %rem3A_191, %ne3A_192 : i32
        %lt3A_194 = arith.constant 0 : i32
        %lt3A_195 = arith.cmpi slt, %rem3A_191, %lt3A_194 : i32
        %lt3A_196 = arith.constant 0 : i32
        %lt3A_197 = arith.cmpi slt, %select_n3A_190, %lt3A_196 : i32
        %ne3A_198 = arith.xori %lt3A_195, %lt3A_197 : i1
        %and3A_199 = arith.andi %ne3A_198, %ne3A_193 : i1
        %add3A_200 = arith.addi %rem3A_191, %select_n3A_190 : i32
        %select_n3A_201 = arith.select %and3A_199, %add3A_200, %rem3A_191 : i32
        %mul3A_202 = arith.constant 640 : i32
        %mul3A_203 = arith.muli %select_n3A_201, %mul3A_202 : i32
        %dma_wait3A_204 = arith.constant 0 : i32
        %dma_wait3A_205 = arith.constant 0 : i32
        %dma_wait3A_206 = arith.constant 0 : i32
        %dma_wait3A_207 = tpu.memref_slice %arg5[%dma_wait3A_205, %dma_wait3A_206] : memref<2x640xi32, #tpu.memory_space<vmem>> -> memref<1x640xi32, #tpu.memory_space<vmem>>
        %dma_wait3A_208 = tpu.memref_squeeze %dma_wait3A_207 : memref<1x640xi32, #tpu.memory_space<vmem>> -> memref<640xi32, #tpu.memory_space<vmem>>
        %dma_wait3A_209 = tpu.memref_slice %arg2[%select_n3A_185, %dma_wait3A_204, %mul3A_203] : memref<125x1x16000xi32, #tpu.memory_space<hbm>> -> memref<1x1x640xi32, #tpu.memory_space<hbm>>
        %dma_wait3A_210 = tpu.memref_squeeze %dma_wait3A_209 : memref<1x1x640xi32, #tpu.memory_space<hbm>> -> memref<640xi32, #tpu.memory_space<hbm>>
        %dma_wait3A_211 = arith.constant 0 : i32
        %dma_wait3A_212 = tpu.memref_slice %arg5[%dma_wait3A_205, %dma_wait3A_211] : memref<2x640xi32, #tpu.memory_space<vmem>> -> memref<1x640xi32, #tpu.memory_space<vmem>>
        %dma_wait3A_213 = tpu.memref_squeeze %dma_wait3A_212 : memref<1x640xi32, #tpu.memory_space<vmem>> -> memref<640xi32, #tpu.memory_space<vmem>>
        %dma_wait3A_214 = tpu.memref_slice %arg2[%select_n3A_185, %dma_wait3A_204, %mul3A_203] : memref<125x1x16000xi32, #tpu.memory_space<hbm>> -> memref<1x1x640xi32, #tpu.memory_space<hbm>>
        %dma_wait3A_215 = tpu.memref_squeeze %dma_wait3A_214 : memref<1x1x640xi32, #tpu.memory_space<hbm>> -> memref<640xi32, #tpu.memory_space<hbm>>
        tpu.wait_dma2 semaphore(%arg7 : memref<!tpu.dma_semaphore, #tpu.memory_space<semaphore_mem>>) src(%dma_wait3A_215 : memref<640xi32, #tpu.memory_space<hbm>>) dst(%dma_wait3A_213 : memref<640xi32, #tpu.memory_space<vmem>>)
        %gt3A = arith.constant 0 : i32
        %gt3A_216 = arith.cmpi sgt, %scan3A_136, %gt3A : i32
        %convert_element_type3A_217 = arith.extui %gt3A_216 : i1 to i32
        %cond3A_218 = arith.constant 0 : i32
        %cond3A_219 = arith.cmpi ne, %convert_element_type3A_217, %cond3A_218 : i32
        scf.if %cond3A_219 {
          %dma_wait3A_368 = arith.constant 0 : i32
          %dma_wait3A_369 = arith.constant 0 : i32
          %dma_wait3A_370 = arith.constant 0 : i32
          %dma_wait3A_371 = tpu.memref_slice %arg6[%dma_wait3A_368, %dma_wait3A_369, %dma_wait3A_370] : memref<2x640x32xf32, #tpu.memory_space<vmem>> -> memref<1x640x32xf32, #tpu.memory_space<vmem>>
          %dma_wait3A_372 = tpu.memref_squeeze %dma_wait3A_371 : memref<1x640x32xf32, #tpu.memory_space<vmem>> -> memref<640x32xf32, #tpu.memory_space<vmem>>
          %dma_wait3A_373 = arith.constant 0 : i32
          %dma_wait3A_374 = arith.constant 0 : i32
          %dma_wait3A_375 = tpu.memref_slice %arg4[%dma_wait3A_373, %dma_wait3A_374] : memref<2000000x32xf32, #tpu.memory_space<hbm>> -> memref<640x32xf32, #tpu.memory_space<hbm>>
          %dma_wait3A_376 = arith.constant 0 : i32
          %dma_wait3A_377 = arith.constant 0 : i32
          %dma_wait3A_378 = tpu.memref_slice %arg6[%dma_wait3A_368, %dma_wait3A_376, %dma_wait3A_377] : memref<2x640x32xf32, #tpu.memory_space<vmem>> -> memref<1x640x32xf32, #tpu.memory_space<vmem>>
          %dma_wait3A_379 = tpu.memref_squeeze %dma_wait3A_378 : memref<1x640x32xf32, #tpu.memory_space<vmem>> -> memref<640x32xf32, #tpu.memory_space<vmem>>
          %dma_wait3A_380 = arith.constant 0 : i32
          %dma_wait3A_381 = arith.constant 0 : i32
          %dma_wait3A_382 = tpu.memref_slice %arg4[%dma_wait3A_380, %dma_wait3A_381] : memref<2000000x32xf32, #tpu.memory_space<hbm>> -> memref<640x32xf32, #tpu.memory_space<hbm>>
          tpu.wait_dma2 semaphore(%arg11 : memref<!tpu.dma_semaphore, #tpu.memory_space<semaphore_mem>>) src(%dma_wait3A_382 : memref<640x32xf32, #tpu.memory_space<hbm>>) dst(%dma_wait3A_379 : memref<640x32xf32, #tpu.memory_space<vmem>>)
        } else {
        }
        %dma_start3A_220 = arith.constant 0 : i32
        %dma_start3A_221 = arith.constant 0 : i32
        %dma_start3A_222 = arith.constant 0 : i32
        %dma_start3A_223 = arith.constant 0 : i32
        %dma_start3A_224 = tpu.memref_slice %arg6[%dma_start3A_221, %dma_start3A_222, %dma_start3A_223] : memref<2x640x32xf32, #tpu.memory_space<vmem>> -> memref<1x128x32xf32, #tpu.memory_space<vmem>>
        %dma_start3A_225 = tpu.memref_squeeze %dma_start3A_224 : memref<1x128x32xf32, #tpu.memory_space<vmem>> -> memref<128x32xf32, #tpu.memory_space<vmem>>
        %dma_start3A_226 = arith.constant 0 : i32
        %dma_start3A_227 = tpu.memref_slice %arg5[%dma_start3A_220, %dma_start3A_226] : memref<2x640xi32, #tpu.memory_space<vmem>> -> memref<1x128xi32, #tpu.memory_space<vmem>>
        %dma_start3A_228 = tpu.memref_squeeze %dma_start3A_227 : memref<1x128xi32, #tpu.memory_space<vmem>> -> memref<128xi32, #tpu.memory_space<vmem>>
        %dma_start3A_229 = arith.constant 0 : i32
        %dma_start3A_230 = arith.constant 0 : i32
        %dma_start3A_231 = tpu.memref_slice %arg3[%dma_start3A_229, %dma_start3A_230] : memref<2097152x32xf32, #tpu.memory_space<hbm>> -> memref<2097152x32xf32, #tpu.memory_space<hbm>>
        tpu.enqueue_indirect_dma source(%dma_start3A_231 : memref<2097152x32xf32, #tpu.memory_space<hbm>>) target(%dma_start3A_225 : memref<128x32xf32, #tpu.memory_space<vmem>>) offsets(%dma_start3A_228 : memref<128xi32, #tpu.memory_space<vmem>>) semaphore(%arg9 : memref<!tpu.dma_semaphore, #tpu.memory_space<semaphore_mem>>)
        %dma_start3A_232 = arith.constant 0 : i32
        %dma_start3A_233 = arith.constant 0 : i32
        %dma_start3A_234 = arith.constant 128 : i32
        %dma_start3A_235 = arith.constant 0 : i32
        %dma_start3A_236 = tpu.memref_slice %arg6[%dma_start3A_233, %dma_start3A_234, %dma_start3A_235] : memref<2x640x32xf32, #tpu.memory_space<vmem>> -> memref<1x128x32xf32, #tpu.memory_space<vmem>>
        %dma_start3A_237 = tpu.memref_squeeze %dma_start3A_236 : memref<1x128x32xf32, #tpu.memory_space<vmem>> -> memref<128x32xf32, #tpu.memory_space<vmem>>
        %dma_start3A_238 = arith.constant 128 : i32
        %dma_start3A_239 = tpu.memref_slice %arg5[%dma_start3A_232, %dma_start3A_238] : memref<2x640xi32, #tpu.memory_space<vmem>> -> memref<1x128xi32, #tpu.memory_space<vmem>>
        %dma_start3A_240 = tpu.memref_squeeze %dma_start3A_239 : memref<1x128xi32, #tpu.memory_space<vmem>> -> memref<128xi32, #tpu.memory_space<vmem>>
        %dma_start3A_241 = arith.constant 0 : i32
        %dma_start3A_242 = arith.constant 0 : i32
        %dma_start3A_243 = tpu.memref_slice %arg3[%dma_start3A_241, %dma_start3A_242] : memref<2097152x32xf32, #tpu.memory_space<hbm>> -> memref<2097152x32xf32, #tpu.memory_space<hbm>>
        tpu.enqueue_indirect_dma source(%dma_start3A_243 : memref<2097152x32xf32, #tpu.memory_space<hbm>>) target(%dma_start3A_237 : memref<128x32xf32, #tpu.memory_space<vmem>>) offsets(%dma_start3A_240 : memref<128xi32, #tpu.memory_space<vmem>>) semaphore(%arg9 : memref<!tpu.dma_semaphore, #tpu.memory_space<semaphore_mem>>)
        %dma_start3A_244 = arith.constant 0 : i32
        %dma_start3A_245 = arith.constant 0 : i32
        %dma_start3A_246 = arith.constant 256 : i32
        %dma_start3A_247 = arith.constant 0 : i32
        %dma_start3A_248 = tpu.memref_slice %arg6[%dma_start3A_245, %dma_start3A_246, %dma_start3A_247] : memref<2x640x32xf32, #tpu.memory_space<vmem>> -> memref<1x128x32xf32, #tpu.memory_space<vmem>>
        %dma_start3A_249 = tpu.memref_squeeze %dma_start3A_248 : memref<1x128x32xf32, #tpu.memory_space<vmem>> -> memref<128x32xf32, #tpu.memory_space<vmem>>
        %dma_start3A_250 = arith.constant 256 : i32
        %dma_start3A_251 = tpu.memref_slice %arg5[%dma_start3A_244, %dma_start3A_250] : memref<2x640xi32, #tpu.memory_space<vmem>> -> memref<1x128xi32, #tpu.memory_space<vmem>>
        %dma_start3A_252 = tpu.memref_squeeze %dma_start3A_251 : memref<1x128xi32, #tpu.memory_space<vmem>> -> memref<128xi32, #tpu.memory_space<vmem>>
        %dma_start3A_253 = arith.constant 0 : i32
        %dma_start3A_254 = arith.constant 0 : i32
        %dma_start3A_255 = tpu.memref_slice %arg3[%dma_start3A_253, %dma_start3A_254] : memref<2097152x32xf32, #tpu.memory_space<hbm>> -> memref<2097152x32xf32, #tpu.memory_space<hbm>>
        tpu.enqueue_indirect_dma source(%dma_start3A_255 : memref<2097152x32xf32, #tpu.memory_space<hbm>>) target(%dma_start3A_249 : memref<128x32xf32, #tpu.memory_space<vmem>>) offsets(%dma_start3A_252 : memref<128xi32, #tpu.memory_space<vmem>>) semaphore(%arg9 : memref<!tpu.dma_semaphore, #tpu.memory_space<semaphore_mem>>)
        %dma_start3A_256 = arith.constant 0 : i32
        %dma_start3A_257 = arith.constant 0 : i32
        %dma_start3A_258 = arith.constant 384 : i32
        %dma_start3A_259 = arith.constant 0 : i32
        %dma_start3A_260 = tpu.memref_slice %arg6[%dma_start3A_257, %dma_start3A_258, %dma_start3A_259] : memref<2x640x32xf32, #tpu.memory_space<vmem>> -> memref<1x128x32xf32, #tpu.memory_space<vmem>>
        %dma_start3A_261 = tpu.memref_squeeze %dma_start3A_260 : memref<1x128x32xf32, #tpu.memory_space<vmem>> -> memref<128x32xf32, #tpu.memory_space<vmem>>
        %dma_start3A_262 = arith.constant 384 : i32
        %dma_start3A_263 = tpu.memref_slice %arg5[%dma_start3A_256, %dma_start3A_262] : memref<2x640xi32, #tpu.memory_space<vmem>> -> memref<1x128xi32, #tpu.memory_space<vmem>>
        %dma_start3A_264 = tpu.memref_squeeze %dma_start3A_263 : memref<1x128xi32, #tpu.memory_space<vmem>> -> memref<128xi32, #tpu.memory_space<vmem>>
        %dma_start3A_265 = arith.constant 0 : i32
        %dma_start3A_266 = arith.constant 0 : i32
        %dma_start3A_267 = tpu.memref_slice %arg3[%dma_start3A_265, %dma_start3A_266] : memref<2097152x32xf32, #tpu.memory_space<hbm>> -> memref<2097152x32xf32, #tpu.memory_space<hbm>>
        tpu.enqueue_indirect_dma source(%dma_start3A_267 : memref<2097152x32xf32, #tpu.memory_space<hbm>>) target(%dma_start3A_261 : memref<128x32xf32, #tpu.memory_space<vmem>>) offsets(%dma_start3A_264 : memref<128xi32, #tpu.memory_space<vmem>>) semaphore(%arg9 : memref<!tpu.dma_semaphore, #tpu.memory_space<semaphore_mem>>)
        %dma_start3A_268 = arith.constant 0 : i32
        %dma_start3A_269 = arith.constant 0 : i32
        %dma_start3A_270 = arith.constant 512 : i32
        %dma_start3A_271 = arith.constant 0 : i32
        %dma_start3A_272 = tpu.memref_slice %arg6[%dma_start3A_269, %dma_start3A_270, %dma_start3A_271] : memref<2x640x32xf32, #tpu.memory_space<vmem>> -> memref<1x128x32xf32, #tpu.memory_space<vmem>>
        %dma_start3A_273 = tpu.memref_squeeze %dma_start3A_272 : memref<1x128x32xf32, #tpu.memory_space<vmem>> -> memref<128x32xf32, #tpu.memory_space<vmem>>
        %dma_start3A_274 = arith.constant 512 : i32
        %dma_start3A_275 = tpu.memref_slice %arg5[%dma_start3A_268, %dma_start3A_274] : memref<2x640xi32, #tpu.memory_space<vmem>> -> memref<1x128xi32, #tpu.memory_space<vmem>>
        %dma_start3A_276 = tpu.memref_squeeze %dma_start3A_275 : memref<1x128xi32, #tpu.memory_space<vmem>> -> memref<128xi32, #tpu.memory_space<vmem>>
        %dma_start3A_277 = arith.constant 0 : i32
        %dma_start3A_278 = arith.constant 0 : i32
        %dma_start3A_279 = tpu.memref_slice %arg3[%dma_start3A_277, %dma_start3A_278] : memref<2097152x32xf32, #tpu.memory_space<hbm>> -> memref<2097152x32xf32, #tpu.memory_space<hbm>>
        tpu.enqueue_indirect_dma source(%dma_start3A_279 : memref<2097152x32xf32, #tpu.memory_space<hbm>>) target(%dma_start3A_273 : memref<128x32xf32, #tpu.memory_space<vmem>>) offsets(%dma_start3A_276 : memref<128xi32, #tpu.memory_space<vmem>>) semaphore(%arg9 : memref<!tpu.dma_semaphore, #tpu.memory_space<semaphore_mem>>)
        %dma_wait3A_280 = arith.constant 0 : i32
        %dma_wait3A_281 = arith.constant 0 : i32
        %dma_wait3A_282 = arith.constant 0 : i32
        %dma_wait3A_283 = arith.constant 0 : i32
        %dma_wait3A_284 = tpu.memref_slice %arg6[%dma_wait3A_281, %dma_wait3A_282, %dma_wait3A_283] : memref<2x640x32xf32, #tpu.memory_space<vmem>> -> memref<1x128x32xf32, #tpu.memory_space<vmem>>
        %dma_wait3A_285 = tpu.memref_squeeze %dma_wait3A_284 : memref<1x128x32xf32, #tpu.memory_space<vmem>> -> memref<128x32xf32, #tpu.memory_space<vmem>>
        %dma_wait3A_286 = arith.constant 0 : i32
        %dma_wait3A_287 = tpu.memref_slice %arg5[%dma_wait3A_280, %dma_wait3A_286] : memref<2x640xi32, #tpu.memory_space<vmem>> -> memref<1x128xi32, #tpu.memory_space<vmem>>
        %dma_wait3A_288 = tpu.memref_squeeze %dma_wait3A_287 : memref<1x128xi32, #tpu.memory_space<vmem>> -> memref<128xi32, #tpu.memory_space<vmem>>
        %dma_wait3A_289 = arith.constant 0 : i32
        %dma_wait3A_290 = arith.constant 0 : i32
        %dma_wait3A_291 = tpu.memref_slice %arg3[%dma_wait3A_289, %dma_wait3A_290] : memref<2097152x32xf32, #tpu.memory_space<hbm>> -> memref<2097152x32xf32, #tpu.memory_space<hbm>>
        tpu.wait_indirect_dma semaphore(%arg9 : memref<!tpu.dma_semaphore, #tpu.memory_space<semaphore_mem>>) src(%dma_wait3A_291 : memref<2097152x32xf32, #tpu.memory_space<hbm>>) dst(%dma_wait3A_285 : memref<128x32xf32, #tpu.memory_space<vmem>>)
        %dma_wait3A_292 = arith.constant 0 : i32
        %dma_wait3A_293 = arith.constant 0 : i32
        %dma_wait3A_294 = arith.constant 128 : i32
        %dma_wait3A_295 = arith.constant 0 : i32
        %dma_wait3A_296 = tpu.memref_slice %arg6[%dma_wait3A_293, %dma_wait3A_294, %dma_wait3A_295] : memref<2x640x32xf32, #tpu.memory_space<vmem>> -> memref<1x128x32xf32, #tpu.memory_space<vmem>>
        %dma_wait3A_297 = tpu.memref_squeeze %dma_wait3A_296 : memref<1x128x32xf32, #tpu.memory_space<vmem>> -> memref<128x32xf32, #tpu.memory_space<vmem>>
        %dma_wait3A_298 = arith.constant 128 : i32
        %dma_wait3A_299 = tpu.memref_slice %arg5[%dma_wait3A_292, %dma_wait3A_298] : memref<2x640xi32, #tpu.memory_space<vmem>> -> memref<1x128xi32, #tpu.memory_space<vmem>>
        %dma_wait3A_300 = tpu.memref_squeeze %dma_wait3A_299 : memref<1x128xi32, #tpu.memory_space<vmem>> -> memref<128xi32, #tpu.memory_space<vmem>>
        %dma_wait3A_301 = arith.constant 0 : i32
        %dma_wait3A_302 = arith.constant 0 : i32
        %dma_wait3A_303 = tpu.memref_slice %arg3[%dma_wait3A_301, %dma_wait3A_302] : memref<2097152x32xf32, #tpu.memory_space<hbm>> -> memref<2097152x32xf32, #tpu.memory_space<hbm>>
        tpu.wait_indirect_dma semaphore(%arg9 : memref<!tpu.dma_semaphore, #tpu.memory_space<semaphore_mem>>) src(%dma_wait3A_303 : memref<2097152x32xf32, #tpu.memory_space<hbm>>) dst(%dma_wait3A_297 : memref<128x32xf32, #tpu.memory_space<vmem>>)
        %dma_wait3A_304 = arith.constant 0 : i32
        %dma_wait3A_305 = arith.constant 0 : i32
        %dma_wait3A_306 = arith.constant 256 : i32
        %dma_wait3A_307 = arith.constant 0 : i32
        %dma_wait3A_308 = tpu.memref_slice %arg6[%dma_wait3A_305, %dma_wait3A_306, %dma_wait3A_307] : memref<2x640x32xf32, #tpu.memory_space<vmem>> -> memref<1x128x32xf32, #tpu.memory_space<vmem>>
        %dma_wait3A_309 = tpu.memref_squeeze %dma_wait3A_308 : memref<1x128x32xf32, #tpu.memory_space<vmem>> -> memref<128x32xf32, #tpu.memory_space<vmem>>
        %dma_wait3A_310 = arith.constant 256 : i32
        %dma_wait3A_311 = tpu.memref_slice %arg5[%dma_wait3A_304, %dma_wait3A_310] : memref<2x640xi32, #tpu.memory_space<vmem>> -> memref<1x128xi32, #tpu.memory_space<vmem>>
        %dma_wait3A_312 = tpu.memref_squeeze %dma_wait3A_311 : memref<1x128xi32, #tpu.memory_space<vmem>> -> memref<128xi32, #tpu.memory_space<vmem>>
        %dma_wait3A_313 = arith.constant 0 : i32
        %dma_wait3A_314 = arith.constant 0 : i32
        %dma_wait3A_315 = tpu.memref_slice %arg3[%dma_wait3A_313, %dma_wait3A_314] : memref<2097152x32xf32, #tpu.memory_space<hbm>> -> memref<2097152x32xf32, #tpu.memory_space<hbm>>
        tpu.wait_indirect_dma semaphore(%arg9 : memref<!tpu.dma_semaphore, #tpu.memory_space<semaphore_mem>>) src(%dma_wait3A_315 : memref<2097152x32xf32, #tpu.memory_space<hbm>>) dst(%dma_wait3A_309 : memref<128x32xf32, #tpu.memory_space<vmem>>)
        %dma_wait3A_316 = arith.constant 0 : i32
        %dma_wait3A_317 = arith.constant 0 : i32
        %dma_wait3A_318 = arith.constant 384 : i32
        %dma_wait3A_319 = arith.constant 0 : i32
        %dma_wait3A_320 = tpu.memref_slice %arg6[%dma_wait3A_317, %dma_wait3A_318, %dma_wait3A_319] : memref<2x640x32xf32, #tpu.memory_space<vmem>> -> memref<1x128x32xf32, #tpu.memory_space<vmem>>
        %dma_wait3A_321 = tpu.memref_squeeze %dma_wait3A_320 : memref<1x128x32xf32, #tpu.memory_space<vmem>> -> memref<128x32xf32, #tpu.memory_space<vmem>>
        %dma_wait3A_322 = arith.constant 384 : i32
        %dma_wait3A_323 = tpu.memref_slice %arg5[%dma_wait3A_316, %dma_wait3A_322] : memref<2x640xi32, #tpu.memory_space<vmem>> -> memref<1x128xi32, #tpu.memory_space<vmem>>
        %dma_wait3A_324 = tpu.memref_squeeze %dma_wait3A_323 : memref<1x128xi32, #tpu.memory_space<vmem>> -> memref<128xi32, #tpu.memory_space<vmem>>
        %dma_wait3A_325 = arith.constant 0 : i32
        %dma_wait3A_326 = arith.constant 0 : i32
        %dma_wait3A_327 = tpu.memref_slice %arg3[%dma_wait3A_325, %dma_wait3A_326] : memref<2097152x32xf32, #tpu.memory_space<hbm>> -> memref<2097152x32xf32, #tpu.memory_space<hbm>>
        tpu.wait_indirect_dma semaphore(%arg9 : memref<!tpu.dma_semaphore, #tpu.memory_space<semaphore_mem>>) src(%dma_wait3A_327 : memref<2097152x32xf32, #tpu.memory_space<hbm>>) dst(%dma_wait3A_321 : memref<128x32xf32, #tpu.memory_space<vmem>>)
        %dma_wait3A_328 = arith.constant 0 : i32
        %dma_wait3A_329 = arith.constant 0 : i32
        %dma_wait3A_330 = arith.constant 512 : i32
        %dma_wait3A_331 = arith.constant 0 : i32
        %dma_wait3A_332 = tpu.memref_slice %arg6[%dma_wait3A_329, %dma_wait3A_330, %dma_wait3A_331] : memref<2x640x32xf32, #tpu.memory_space<vmem>> -> memref<1x128x32xf32, #tpu.memory_space<vmem>>
        %dma_wait3A_333 = tpu.memref_squeeze %dma_wait3A_332 : memref<1x128x32xf32, #tpu.memory_space<vmem>> -> memref<128x32xf32, #tpu.memory_space<vmem>>
        %dma_wait3A_334 = arith.constant 512 : i32
        %dma_wait3A_335 = tpu.memref_slice %arg5[%dma_wait3A_328, %dma_wait3A_334] : memref<2x640xi32, #tpu.memory_space<vmem>> -> memref<1x128xi32, #tpu.memory_space<vmem>>
        %dma_wait3A_336 = tpu.memref_squeeze %dma_wait3A_335 : memref<1x128xi32, #tpu.memory_space<vmem>> -> memref<128xi32, #tpu.memory_space<vmem>>
        %dma_wait3A_337 = arith.constant 0 : i32
        %dma_wait3A_338 = arith.constant 0 : i32
        %dma_wait3A_339 = tpu.memref_slice %arg3[%dma_wait3A_337, %dma_wait3A_338] : memref<2097152x32xf32, #tpu.memory_space<hbm>> -> memref<2097152x32xf32, #tpu.memory_space<hbm>>
        tpu.wait_indirect_dma semaphore(%arg9 : memref<!tpu.dma_semaphore, #tpu.memory_space<semaphore_mem>>) src(%dma_wait3A_339 : memref<2097152x32xf32, #tpu.memory_space<hbm>>) dst(%dma_wait3A_333 : memref<128x32xf32, #tpu.memory_space<vmem>>)
        %add3A_340 = arith.constant 2 : i32
        %add3A_341 = arith.addi %add3A_140, %add3A_340 : i32
        %mul3A_342 = arith.constant 32 : i32
        %mul3A_343 = arith.muli %add3A_341, %mul3A_342 : i32
        %add3A_344 = arith.addi %add3A, %mul3A_343 : i32
        %lt3A_345 = arith.constant 3125 : i32
        %lt3A_346 = arith.cmpi slt, %add3A_344, %lt3A_345 : i32
        %convert_element_type3A_347 = arith.extui %lt3A_346 : i1 to i32
        %cond3A_348 = arith.constant 0 : i32
        %cond3A_349 = arith.cmpi ne, %convert_element_type3A_347, %cond3A_348 : i32
        scf.if %cond3A_349 {
          %add3A_368 = arith.constant 2 : i32
          %add3A_369 = arith.addi %add3A_140, %add3A_368 : i32
          %mul3A_370 = arith.constant 32 : i32
          %mul3A_371 = arith.muli %add3A_369, %mul3A_370 : i32
          %add3A_372 = arith.addi %add3A, %mul3A_371 : i32
          %jit3A_373 = arith.constant 25 : i32
          %div3A_374 = arith.divsi %add3A_372, %jit3A_373 : i32
          %sign3A_375 = arith.constant 0 : i32
          %sign3A_376 = arith.cmpi sgt, %add3A_372, %sign3A_375 : i32
          %sign3A_377 = arith.extui %sign3A_376 : i1 to i32
          %sign3A_378 = arith.constant 0 : i32
          %sign3A_379 = arith.cmpi slt, %add3A_372, %sign3A_378 : i32
          %sign3A_380 = arith.extui %sign3A_379 : i1 to i32
          %sign3A_381 = arith.subi %sign3A_377, %sign3A_380 : i32
          %sign3A_382 = arith.constant 0 : i32
          %sign3A_383 = arith.cmpi sgt, %jit3A_373, %sign3A_382 : i32
          %sign3A_384 = arith.extui %sign3A_383 : i1 to i32
          %sign3A_385 = arith.constant 0 : i32
          %sign3A_386 = arith.cmpi slt, %jit3A_373, %sign3A_385 : i32
          %sign3A_387 = arith.extui %sign3A_386 : i1 to i32
          %sign3A_388 = arith.subi %sign3A_384, %sign3A_387 : i32
          %ne3A_389 = arith.cmpi ne, %sign3A_381, %sign3A_388 : i32
          %rem3A_390 = arith.remsi %add3A_372, %jit3A_373 : i32
          %ne3A_391 = arith.constant 0 : i32
          %ne3A_392 = arith.cmpi ne, %rem3A_390, %ne3A_391 : i32
          %and3A_393 = arith.andi %ne3A_389, %ne3A_392 : i1
          %sub3A_394 = arith.constant 1 : i32
          %sub3A_395 = arith.subi %div3A_374, %sub3A_394 : i32
          %select_n3A_396 = arith.select %and3A_393, %sub3A_395, %div3A_374 : i32
          %jit3A_397 = arith.constant 25 : i32
          %eq3A_398 = arith.constant 0 : i32
          %eq3A_399 = arith.cmpi eq, %jit3A_397, %eq3A_398 : i32
          %jit3A_400 = arith.constant 1 : i32
          %select_n3A_401 = arith.select %eq3A_399, %jit3A_400, %jit3A_397 : i32
          %rem3A_402 = arith.remsi %add3A_372, %select_n3A_401 : i32
          %ne3A_403 = arith.constant 0 : i32
          %ne3A_404 = arith.cmpi ne, %rem3A_402, %ne3A_403 : i32
          %lt3A_405 = arith.constant 0 : i32
          %lt3A_406 = arith.cmpi slt, %rem3A_402, %lt3A_405 : i32
          %lt3A_407 = arith.constant 0 : i32
          %lt3A_408 = arith.cmpi slt, %select_n3A_401, %lt3A_407 : i32
          %ne3A_409 = arith.xori %lt3A_406, %lt3A_408 : i1
          %and3A_410 = arith.andi %ne3A_409, %ne3A_404 : i1
          %add3A_411 = arith.addi %rem3A_402, %select_n3A_401 : i32
          %select_n3A_412 = arith.select %and3A_410, %add3A_411, %rem3A_402 : i32
          %mul3A_413 = arith.constant 640 : i32
          %mul3A_414 = arith.muli %select_n3A_412, %mul3A_413 : i32
          %dma_start3A_415 = arith.constant 0 : i32
          %dma_start3A_416 = arith.constant 0 : i32
          %dma_start3A_417 = arith.constant 0 : i32
          %dma_start3A_418 = tpu.memref_slice %arg5[%dma_start3A_416, %dma_start3A_417] : memref<2x640xi32, #tpu.memory_space<vmem>> -> memref<1x640xi32, #tpu.memory_space<vmem>>
          %dma_start3A_419 = tpu.memref_squeeze %dma_start3A_418 : memref<1x640xi32, #tpu.memory_space<vmem>> -> memref<640xi32, #tpu.memory_space<vmem>>
          %dma_start3A_420 = tpu.memref_slice %arg2[%select_n3A_396, %dma_start3A_415, %mul3A_414] : memref<125x1x16000xi32, #tpu.memory_space<hbm>> -> memref<1x1x640xi32, #tpu.memory_space<hbm>>
          %dma_start3A_421 = tpu.memref_squeeze %dma_start3A_420 : memref<1x1x640xi32, #tpu.memory_space<hbm>> -> memref<640xi32, #tpu.memory_space<hbm>>
          %dma_start3A_422 = arith.constant 0 : i32
          %dma_start3A_423 = tpu.memref_slice %arg5[%dma_start3A_416, %dma_start3A_422] : memref<2x640xi32, #tpu.memory_space<vmem>> -> memref<1x640xi32, #tpu.memory_space<vmem>>
          %dma_start3A_424 = tpu.memref_squeeze %dma_start3A_423 : memref<1x640xi32, #tpu.memory_space<vmem>> -> memref<640xi32, #tpu.memory_space<vmem>>
          %dma_start3A_425 = tpu.memref_slice %arg2[%select_n3A_396, %dma_start3A_415, %mul3A_414] : memref<125x1x16000xi32, #tpu.memory_space<hbm>> -> memref<1x1x640xi32, #tpu.memory_space<hbm>>
          %dma_start3A_426 = tpu.memref_squeeze %dma_start3A_425 : memref<1x1x640xi32, #tpu.memory_space<hbm>> -> memref<640xi32, #tpu.memory_space<hbm>>
          tpu.enqueue_dma source(%dma_start3A_426 : memref<640xi32, #tpu.memory_space<hbm>>) target(%dma_start3A_424 : memref<640xi32, #tpu.memory_space<vmem>>) target_semaphore(%arg7 : memref<!tpu.dma_semaphore, #tpu.memory_space<semaphore_mem>>)
        } else {
        }
        %mul3A_350 = arith.constant 32 : i32
        %mul3A_351 = arith.muli %add3A_140, %mul3A_350 : i32
        %add3A_352 = arith.addi %add3A, %mul3A_351 : i32
        %mul3A_353 = arith.constant 640 : i32
        %mul3A_354 = arith.muli %add3A_352, %mul3A_353 : i32
        %dma_start3A_355 = arith.constant 0 : i32
        %dma_start3A_356 = arith.constant 0 : i32
        %dma_start3A_357 = arith.constant 0 : i32
        %dma_start3A_358 = tpu.memref_slice %arg6[%dma_start3A_355, %dma_start3A_356, %dma_start3A_357] : memref<2x640x32xf32, #tpu.memory_space<vmem>> -> memref<1x640x32xf32, #tpu.memory_space<vmem>>
        %dma_start3A_359 = tpu.memref_squeeze %dma_start3A_358 : memref<1x640x32xf32, #tpu.memory_space<vmem>> -> memref<640x32xf32, #tpu.memory_space<vmem>>
        %dma_start3A_360 = arith.constant 0 : i32
        %dma_start3A_361 = tpu.memref_slice %arg4[%mul3A_354, %dma_start3A_360] : memref<2000000x32xf32, #tpu.memory_space<hbm>> -> memref<640x32xf32, #tpu.memory_space<hbm>>
        %dma_start3A_362 = arith.constant 0 : i32
        %dma_start3A_363 = tpu.memref_slice %arg4[%mul3A_354, %dma_start3A_362] : memref<2000000x32xf32, #tpu.memory_space<hbm>> -> memref<640x32xf32, #tpu.memory_space<hbm>>
        %dma_start3A_364 = arith.constant 0 : i32
        %dma_start3A_365 = arith.constant 0 : i32
        %dma_start3A_366 = tpu.memref_slice %arg6[%dma_start3A_355, %dma_start3A_364, %dma_start3A_365] : memref<2x640x32xf32, #tpu.memory_space<vmem>> -> memref<1x640x32xf32, #tpu.memory_space<vmem>>
        %dma_start3A_367 = tpu.memref_squeeze %dma_start3A_366 : memref<1x640x32xf32, #tpu.memory_space<vmem>> -> memref<640x32xf32, #tpu.memory_space<vmem>>
        tpu.enqueue_dma source(%dma_start3A_367 : memref<640x32xf32, #tpu.memory_space<vmem>>) target(%dma_start3A_363 : memref<640x32xf32, #tpu.memory_space<hbm>>) target_semaphore(%arg11 : memref<!tpu.dma_semaphore, #tpu.memory_space<semaphore_mem>>)
      } else {
      }
      %mul3A_147 = arith.constant 2 : i32
      %mul3A_148 = arith.muli %scan3A_136, %mul3A_147 : i32
      %add3A_149 = arith.constant 1 : i32
      %add3A_150 = arith.addi %mul3A_148, %add3A_149 : i32
      %mul3A_151 = arith.constant 32 : i32
      %mul3A_152 = arith.muli %add3A_150, %mul3A_151 : i32
      %add3A_153 = arith.addi %add3A, %mul3A_152 : i32
      %lt3A_154 = arith.constant 3125 : i32
      %lt3A_155 = arith.cmpi slt, %add3A_153, %lt3A_154 : i32
      %convert_element_type3A_156 = arith.extui %lt3A_155 : i1 to i32
      %cond3A_157 = arith.constant 0 : i32
      %cond3A_158 = arith.cmpi ne, %convert_element_type3A_156, %cond3A_157 : i32
      scf.if %cond3A_158 {
        %mul3A_159 = arith.constant 32 : i32
        %mul3A_160 = arith.muli %add3A_150, %mul3A_159 : i32
        %add3A_161 = arith.addi %add3A, %mul3A_160 : i32
        %jit3A_162 = arith.constant 25 : i32
        %div3A_163 = arith.divsi %add3A_161, %jit3A_162 : i32
        %sign3A_164 = arith.constant 0 : i32
        %sign3A_165 = arith.cmpi sgt, %add3A_161, %sign3A_164 : i32
        %sign3A_166 = arith.extui %sign3A_165 : i1 to i32
        %sign3A_167 = arith.constant 0 : i32
        %sign3A_168 = arith.cmpi slt, %add3A_161, %sign3A_167 : i32
        %sign3A_169 = arith.extui %sign3A_168 : i1 to i32
        %sign3A_170 = arith.subi %sign3A_166, %sign3A_169 : i32
        %sign3A_171 = arith.constant 0 : i32
        %sign3A_172 = arith.cmpi sgt, %jit3A_162, %sign3A_171 : i32
        %sign3A_173 = arith.extui %sign3A_172 : i1 to i32
        %sign3A_174 = arith.constant 0 : i32
        %sign3A_175 = arith.cmpi slt, %jit3A_162, %sign3A_174 : i32
        %sign3A_176 = arith.extui %sign3A_175 : i1 to i32
        %sign3A_177 = arith.subi %sign3A_173, %sign3A_176 : i32
        %ne3A_178 = arith.cmpi ne, %sign3A_170, %sign3A_177 : i32
        %rem3A_179 = arith.remsi %add3A_161, %jit3A_162 : i32
        %ne3A_180 = arith.constant 0 : i32
        %ne3A_181 = arith.cmpi ne, %rem3A_179, %ne3A_180 : i32
        %and3A_182 = arith.andi %ne3A_178, %ne3A_181 : i1
        %sub3A_183 = arith.constant 1 : i32
        %sub3A_184 = arith.subi %div3A_163, %sub3A_183 : i32
        %select_n3A_185 = arith.select %and3A_182, %sub3A_184, %div3A_163 : i32
        %jit3A_186 = arith.constant 25 : i32
        %eq3A_187 = arith.constant 0 : i32
        %eq3A_188 = arith.cmpi eq, %jit3A_186, %eq3A_187 : i32
        %jit3A_189 = arith.constant 1 : i32
        %select_n3A_190 = arith.select %eq3A_188, %jit3A_189, %jit3A_186 : i32
        %rem3A_191 = arith.remsi %add3A_161, %select_n3A_190 : i32
        %ne3A_192 = arith.constant 0 : i32
        %ne3A_193 = arith.cmpi ne, %rem3A_191, %ne3A_192 : i32
        %lt3A_194 = arith.constant 0 : i32
        %lt3A_195 = arith.cmpi slt, %rem3A_191, %lt3A_194 : i32
        %lt3A_196 = arith.constant 0 : i32
        %lt3A_197 = arith.cmpi slt, %select_n3A_190, %lt3A_196 : i32
        %ne3A_198 = arith.xori %lt3A_195, %lt3A_197 : i1
        %and3A_199 = arith.andi %ne3A_198, %ne3A_193 : i1
        %add3A_200 = arith.addi %rem3A_191, %select_n3A_190 : i32
        %select_n3A_201 = arith.select %and3A_199, %add3A_200, %rem3A_191 : i32
        %mul3A_202 = arith.constant 640 : i32
        %mul3A_203 = arith.muli %select_n3A_201, %mul3A_202 : i32
        %dma_wait3A_204 = arith.constant 0 : i32
        %dma_wait3A_205 = arith.constant 1 : i32
        %dma_wait3A_206 = arith.constant 0 : i32
        %dma_wait3A_207 = tpu.memref_slice %arg5[%dma_wait3A_205, %dma_wait3A_206] : memref<2x640xi32, #tpu.memory_space<vmem>> -> memref<1x640xi32, #tpu.memory_space<vmem>>
        %dma_wait3A_208 = tpu.memref_squeeze %dma_wait3A_207 : memref<1x640xi32, #tpu.memory_space<vmem>> -> memref<640xi32, #tpu.memory_space<vmem>>
        %dma_wait3A_209 = tpu.memref_slice %arg2[%select_n3A_185, %dma_wait3A_204, %mul3A_203] : memref<125x1x16000xi32, #tpu.memory_space<hbm>> -> memref<1x1x640xi32, #tpu.memory_space<hbm>>
        %dma_wait3A_210 = tpu.memref_squeeze %dma_wait3A_209 : memref<1x1x640xi32, #tpu.memory_space<hbm>> -> memref<640xi32, #tpu.memory_space<hbm>>
        %dma_wait3A_211 = arith.constant 0 : i32
        %dma_wait3A_212 = tpu.memref_slice %arg5[%dma_wait3A_205, %dma_wait3A_211] : memref<2x640xi32, #tpu.memory_space<vmem>> -> memref<1x640xi32, #tpu.memory_space<vmem>>
        %dma_wait3A_213 = tpu.memref_squeeze %dma_wait3A_212 : memref<1x640xi32, #tpu.memory_space<vmem>> -> memref<640xi32, #tpu.memory_space<vmem>>
        %dma_wait3A_214 = tpu.memref_slice %arg2[%select_n3A_185, %dma_wait3A_204, %mul3A_203] : memref<125x1x16000xi32, #tpu.memory_space<hbm>> -> memref<1x1x640xi32, #tpu.memory_space<hbm>>
        %dma_wait3A_215 = tpu.memref_squeeze %dma_wait3A_214 : memref<1x1x640xi32, #tpu.memory_space<hbm>> -> memref<640xi32, #tpu.memory_space<hbm>>
        tpu.wait_dma2 semaphore(%arg8 : memref<!tpu.dma_semaphore, #tpu.memory_space<semaphore_mem>>) src(%dma_wait3A_215 : memref<640xi32, #tpu.memory_space<hbm>>) dst(%dma_wait3A_213 : memref<640xi32, #tpu.memory_space<vmem>>)
        %gt3A = arith.constant 0 : i32
        %gt3A_216 = arith.cmpi sgt, %scan3A_136, %gt3A : i32
        %convert_element_type3A_217 = arith.extui %gt3A_216 : i1 to i32
        %cond3A_218 = arith.constant 0 : i32
        %cond3A_219 = arith.cmpi ne, %convert_element_type3A_217, %cond3A_218 : i32
        scf.if %cond3A_219 {
          %dma_wait3A_368 = arith.constant 1 : i32
          %dma_wait3A_369 = arith.constant 0 : i32
          %dma_wait3A_370 = arith.constant 0 : i32
          %dma_wait3A_371 = tpu.memref_slice %arg6[%dma_wait3A_368, %dma_wait3A_369, %dma_wait3A_370] : memref<2x640x32xf32, #tpu.memory_space<vmem>> -> memref<1x640x32xf32, #tpu.memory_space<vmem>>
          %dma_wait3A_372 = tpu.memref_squeeze %dma_wait3A_371 : memref<1x640x32xf32, #tpu.memory_space<vmem>> -> memref<640x32xf32, #tpu.memory_space<vmem>>
          %dma_wait3A_373 = arith.constant 0 : i32
          %dma_wait3A_374 = arith.constant 0 : i32
          %dma_wait3A_375 = tpu.memref_slice %arg4[%dma_wait3A_373, %dma_wait3A_374] : memref<2000000x32xf32, #tpu.memory_space<hbm>> -> memref<640x32xf32, #tpu.memory_space<hbm>>
          %dma_wait3A_376 = arith.constant 0 : i32
          %dma_wait3A_377 = arith.constant 0 : i32
          %dma_wait3A_378 = tpu.memref_slice %arg6[%dma_wait3A_368, %dma_wait3A_376, %dma_wait3A_377] : memref<2x640x32xf32, #tpu.memory_space<vmem>> -> memref<1x640x32xf32, #tpu.memory_space<vmem>>
          %dma_wait3A_379 = tpu.memref_squeeze %dma_wait3A_378 : memref<1x640x32xf32, #tpu.memory_space<vmem>> -> memref<640x32xf32, #tpu.memory_space<vmem>>
          %dma_wait3A_380 = arith.constant 0 : i32
          %dma_wait3A_381 = arith.constant 0 : i32
          %dma_wait3A_382 = tpu.memref_slice %arg4[%dma_wait3A_380, %dma_wait3A_381] : memref<2000000x32xf32, #tpu.memory_space<hbm>> -> memref<640x32xf32, #tpu.memory_space<hbm>>
          tpu.wait_dma2 semaphore(%arg12 : memref<!tpu.dma_semaphore, #tpu.memory_space<semaphore_mem>>) src(%dma_wait3A_382 : memref<640x32xf32, #tpu.memory_space<hbm>>) dst(%dma_wait3A_379 : memref<640x32xf32, #tpu.memory_space<vmem>>)
        } else {
        }
        %dma_start3A_220 = arith.constant 1 : i32
        %dma_start3A_221 = arith.constant 1 : i32
        %dma_start3A_222 = arith.constant 0 : i32
        %dma_start3A_223 = arith.constant 0 : i32
        %dma_start3A_224 = tpu.memref_slice %arg6[%dma_start3A_221, %dma_start3A_222, %dma_start3A_223] : memref<2x640x32xf32, #tpu.memory_space<vmem>> -> memref<1x128x32xf32, #tpu.memory_space<vmem>>
        %dma_start3A_225 = tpu.memref_squeeze %dma_start3A_224 : memref<1x128x32xf32, #tpu.memory_space<vmem>> -> memref<128x32xf32, #tpu.memory_space<vmem>>
        %dma_start3A_226 = arith.constant 0 : i32
        %dma_start3A_227 = tpu.memref_slice %arg5[%dma_start3A_220, %dma_start3A_226] : memref<2x640xi32, #tpu.memory_space<vmem>> -> memref<1x128xi32, #tpu.memory_space<vmem>>
        %dma_start3A_228 = tpu.memref_squeeze %dma_start3A_227 : memref<1x128xi32, #tpu.memory_space<vmem>> -> memref<128xi32, #tpu.memory_space<vmem>>
        %dma_start3A_229 = arith.constant 0 : i32
        %dma_start3A_230 = arith.constant 0 : i32
        %dma_start3A_231 = tpu.memref_slice %arg3[%dma_start3A_229, %dma_start3A_230] : memref<2097152x32xf32, #tpu.memory_space<hbm>> -> memref<2097152x32xf32, #tpu.memory_space<hbm>>
        tpu.enqueue_indirect_dma source(%dma_start3A_231 : memref<2097152x32xf32, #tpu.memory_space<hbm>>) target(%dma_start3A_225 : memref<128x32xf32, #tpu.memory_space<vmem>>) offsets(%dma_start3A_228 : memref<128xi32, #tpu.memory_space<vmem>>) semaphore(%arg10 : memref<!tpu.dma_semaphore, #tpu.memory_space<semaphore_mem>>)
        %dma_start3A_232 = arith.constant 1 : i32
        %dma_start3A_233 = arith.constant 1 : i32
        %dma_start3A_234 = arith.constant 128 : i32
        %dma_start3A_235 = arith.constant 0 : i32
        %dma_start3A_236 = tpu.memref_slice %arg6[%dma_start3A_233, %dma_start3A_234, %dma_start3A_235] : memref<2x640x32xf32, #tpu.memory_space<vmem>> -> memref<1x128x32xf32, #tpu.memory_space<vmem>>
        %dma_start3A_237 = tpu.memref_squeeze %dma_start3A_236 : memref<1x128x32xf32, #tpu.memory_space<vmem>> -> memref<128x32xf32, #tpu.memory_space<vmem>>
        %dma_start3A_238 = arith.constant 128 : i32
        %dma_start3A_239 = tpu.memref_slice %arg5[%dma_start3A_232, %dma_start3A_238] : memref<2x640xi32, #tpu.memory_space<vmem>> -> memref<1x128xi32, #tpu.memory_space<vmem>>
        %dma_start3A_240 = tpu.memref_squeeze %dma_start3A_239 : memref<1x128xi32, #tpu.memory_space<vmem>> -> memref<128xi32, #tpu.memory_space<vmem>>
        %dma_start3A_241 = arith.constant 0 : i32
        %dma_start3A_242 = arith.constant 0 : i32
        %dma_start3A_243 = tpu.memref_slice %arg3[%dma_start3A_241, %dma_start3A_242] : memref<2097152x32xf32, #tpu.memory_space<hbm>> -> memref<2097152x32xf32, #tpu.memory_space<hbm>>
        tpu.enqueue_indirect_dma source(%dma_start3A_243 : memref<2097152x32xf32, #tpu.memory_space<hbm>>) target(%dma_start3A_237 : memref<128x32xf32, #tpu.memory_space<vmem>>) offsets(%dma_start3A_240 : memref<128xi32, #tpu.memory_space<vmem>>) semaphore(%arg10 : memref<!tpu.dma_semaphore, #tpu.memory_space<semaphore_mem>>)
        %dma_start3A_244 = arith.constant 1 : i32
        %dma_start3A_245 = arith.constant 1 : i32
        %dma_start3A_246 = arith.constant 256 : i32
        %dma_start3A_247 = arith.constant 0 : i32
        %dma_start3A_248 = tpu.memref_slice %arg6[%dma_start3A_245, %dma_start3A_246, %dma_start3A_247] : memref<2x640x32xf32, #tpu.memory_space<vmem>> -> memref<1x128x32xf32, #tpu.memory_space<vmem>>
        %dma_start3A_249 = tpu.memref_squeeze %dma_start3A_248 : memref<1x128x32xf32, #tpu.memory_space<vmem>> -> memref<128x32xf32, #tpu.memory_space<vmem>>
        %dma_start3A_250 = arith.constant 256 : i32
        %dma_start3A_251 = tpu.memref_slice %arg5[%dma_start3A_244, %dma_start3A_250] : memref<2x640xi32, #tpu.memory_space<vmem>> -> memref<1x128xi32, #tpu.memory_space<vmem>>
        %dma_start3A_252 = tpu.memref_squeeze %dma_start3A_251 : memref<1x128xi32, #tpu.memory_space<vmem>> -> memref<128xi32, #tpu.memory_space<vmem>>
        %dma_start3A_253 = arith.constant 0 : i32
        %dma_start3A_254 = arith.constant 0 : i32
        %dma_start3A_255 = tpu.memref_slice %arg3[%dma_start3A_253, %dma_start3A_254] : memref<2097152x32xf32, #tpu.memory_space<hbm>> -> memref<2097152x32xf32, #tpu.memory_space<hbm>>
        tpu.enqueue_indirect_dma source(%dma_start3A_255 : memref<2097152x32xf32, #tpu.memory_space<hbm>>) target(%dma_start3A_249 : memref<128x32xf32, #tpu.memory_space<vmem>>) offsets(%dma_start3A_252 : memref<128xi32, #tpu.memory_space<vmem>>) semaphore(%arg10 : memref<!tpu.dma_semaphore, #tpu.memory_space<semaphore_mem>>)
        %dma_start3A_256 = arith.constant 1 : i32
        %dma_start3A_257 = arith.constant 1 : i32
        %dma_start3A_258 = arith.constant 384 : i32
        %dma_start3A_259 = arith.constant 0 : i32
        %dma_start3A_260 = tpu.memref_slice %arg6[%dma_start3A_257, %dma_start3A_258, %dma_start3A_259] : memref<2x640x32xf32, #tpu.memory_space<vmem>> -> memref<1x128x32xf32, #tpu.memory_space<vmem>>
        %dma_start3A_261 = tpu.memref_squeeze %dma_start3A_260 : memref<1x128x32xf32, #tpu.memory_space<vmem>> -> memref<128x32xf32, #tpu.memory_space<vmem>>
        %dma_start3A_262 = arith.constant 384 : i32
        %dma_start3A_263 = tpu.memref_slice %arg5[%dma_start3A_256, %dma_start3A_262] : memref<2x640xi32, #tpu.memory_space<vmem>> -> memref<1x128xi32, #tpu.memory_space<vmem>>
        %dma_start3A_264 = tpu.memref_squeeze %dma_start3A_263 : memref<1x128xi32, #tpu.memory_space<vmem>> -> memref<128xi32, #tpu.memory_space<vmem>>
        %dma_start3A_265 = arith.constant 0 : i32
        %dma_start3A_266 = arith.constant 0 : i32
        %dma_start3A_267 = tpu.memref_slice %arg3[%dma_start3A_265, %dma_start3A_266] : memref<2097152x32xf32, #tpu.memory_space<hbm>> -> memref<2097152x32xf32, #tpu.memory_space<hbm>>
        tpu.enqueue_indirect_dma source(%dma_start3A_267 : memref<2097152x32xf32, #tpu.memory_space<hbm>>) target(%dma_start3A_261 : memref<128x32xf32, #tpu.memory_space<vmem>>) offsets(%dma_start3A_264 : memref<128xi32, #tpu.memory_space<vmem>>) semaphore(%arg10 : memref<!tpu.dma_semaphore, #tpu.memory_space<semaphore_mem>>)
        %dma_start3A_268 = arith.constant 1 : i32
        %dma_start3A_269 = arith.constant 1 : i32
        %dma_start3A_270 = arith.constant 512 : i32
        %dma_start3A_271 = arith.constant 0 : i32
        %dma_start3A_272 = tpu.memref_slice %arg6[%dma_start3A_269, %dma_start3A_270, %dma_start3A_271] : memref<2x640x32xf32, #tpu.memory_space<vmem>> -> memref<1x128x32xf32, #tpu.memory_space<vmem>>
        %dma_start3A_273 = tpu.memref_squeeze %dma_start3A_272 : memref<1x128x32xf32, #tpu.memory_space<vmem>> -> memref<128x32xf32, #tpu.memory_space<vmem>>
        %dma_start3A_274 = arith.constant 512 : i32
        %dma_start3A_275 = tpu.memref_slice %arg5[%dma_start3A_268, %dma_start3A_274] : memref<2x640xi32, #tpu.memory_space<vmem>> -> memref<1x128xi32, #tpu.memory_space<vmem>>
        %dma_start3A_276 = tpu.memref_squeeze %dma_start3A_275 : memref<1x128xi32, #tpu.memory_space<vmem>> -> memref<128xi32, #tpu.memory_space<vmem>>
        %dma_start3A_277 = arith.constant 0 : i32
        %dma_start3A_278 = arith.constant 0 : i32
        %dma_start3A_279 = tpu.memref_slice %arg3[%dma_start3A_277, %dma_start3A_278] : memref<2097152x32xf32, #tpu.memory_space<hbm>> -> memref<2097152x32xf32, #tpu.memory_space<hbm>>
        tpu.enqueue_indirect_dma source(%dma_start3A_279 : memref<2097152x32xf32, #tpu.memory_space<hbm>>) target(%dma_start3A_273 : memref<128x32xf32, #tpu.memory_space<vmem>>) offsets(%dma_start3A_276 : memref<128xi32, #tpu.memory_space<vmem>>) semaphore(%arg10 : memref<!tpu.dma_semaphore, #tpu.memory_space<semaphore_mem>>)
        %dma_wait3A_280 = arith.constant 1 : i32
        %dma_wait3A_281 = arith.constant 1 : i32
        %dma_wait3A_282 = arith.constant 0 : i32
        %dma_wait3A_283 = arith.constant 0 : i32
        %dma_wait3A_284 = tpu.memref_slice %arg6[%dma_wait3A_281, %dma_wait3A_282, %dma_wait3A_283] : memref<2x640x32xf32, #tpu.memory_space<vmem>> -> memref<1x128x32xf32, #tpu.memory_space<vmem>>
        %dma_wait3A_285 = tpu.memref_squeeze %dma_wait3A_284 : memref<1x128x32xf32, #tpu.memory_space<vmem>> -> memref<128x32xf32, #tpu.memory_space<vmem>>
        %dma_wait3A_286 = arith.constant 0 : i32
        %dma_wait3A_287 = tpu.memref_slice %arg5[%dma_wait3A_280, %dma_wait3A_286] : memref<2x640xi32, #tpu.memory_space<vmem>> -> memref<1x128xi32, #tpu.memory_space<vmem>>
        %dma_wait3A_288 = tpu.memref_squeeze %dma_wait3A_287 : memref<1x128xi32, #tpu.memory_space<vmem>> -> memref<128xi32, #tpu.memory_space<vmem>>
        %dma_wait3A_289 = arith.constant 0 : i32
        %dma_wait3A_290 = arith.constant 0 : i32
        %dma_wait3A_291 = tpu.memref_slice %arg3[%dma_wait3A_289, %dma_wait3A_290] : memref<2097152x32xf32, #tpu.memory_space<hbm>> -> memref<2097152x32xf32, #tpu.memory_space<hbm>>
        tpu.wait_indirect_dma semaphore(%arg10 : memref<!tpu.dma_semaphore, #tpu.memory_space<semaphore_mem>>) src(%dma_wait3A_291 : memref<2097152x32xf32, #tpu.memory_space<hbm>>) dst(%dma_wait3A_285 : memref<128x32xf32, #tpu.memory_space<vmem>>)
        %dma_wait3A_292 = arith.constant 1 : i32
        %dma_wait3A_293 = arith.constant 1 : i32
        %dma_wait3A_294 = arith.constant 128 : i32
        %dma_wait3A_295 = arith.constant 0 : i32
        %dma_wait3A_296 = tpu.memref_slice %arg6[%dma_wait3A_293, %dma_wait3A_294, %dma_wait3A_295] : memref<2x640x32xf32, #tpu.memory_space<vmem>> -> memref<1x128x32xf32, #tpu.memory_space<vmem>>
        %dma_wait3A_297 = tpu.memref_squeeze %dma_wait3A_296 : memref<1x128x32xf32, #tpu.memory_space<vmem>> -> memref<128x32xf32, #tpu.memory_space<vmem>>
        %dma_wait3A_298 = arith.constant 128 : i32
        %dma_wait3A_299 = tpu.memref_slice %arg5[%dma_wait3A_292, %dma_wait3A_298] : memref<2x640xi32, #tpu.memory_space<vmem>> -> memref<1x128xi32, #tpu.memory_space<vmem>>
        %dma_wait3A_300 = tpu.memref_squeeze %dma_wait3A_299 : memref<1x128xi32, #tpu.memory_space<vmem>> -> memref<128xi32, #tpu.memory_space<vmem>>
        %dma_wait3A_301 = arith.constant 0 : i32
        %dma_wait3A_302 = arith.constant 0 : i32
        %dma_wait3A_303 = tpu.memref_slice %arg3[%dma_wait3A_301, %dma_wait3A_302] : memref<2097152x32xf32, #tpu.memory_space<hbm>> -> memref<2097152x32xf32, #tpu.memory_space<hbm>>
        tpu.wait_indirect_dma semaphore(%arg10 : memref<!tpu.dma_semaphore, #tpu.memory_space<semaphore_mem>>) src(%dma_wait3A_303 : memref<2097152x32xf32, #tpu.memory_space<hbm>>) dst(%dma_wait3A_297 : memref<128x32xf32, #tpu.memory_space<vmem>>)
        %dma_wait3A_304 = arith.constant 1 : i32
        %dma_wait3A_305 = arith.constant 1 : i32
        %dma_wait3A_306 = arith.constant 256 : i32
        %dma_wait3A_307 = arith.constant 0 : i32
        %dma_wait3A_308 = tpu.memref_slice %arg6[%dma_wait3A_305, %dma_wait3A_306, %dma_wait3A_307] : memref<2x640x32xf32, #tpu.memory_space<vmem>> -> memref<1x128x32xf32, #tpu.memory_space<vmem>>
        %dma_wait3A_309 = tpu.memref_squeeze %dma_wait3A_308 : memref<1x128x32xf32, #tpu.memory_space<vmem>> -> memref<128x32xf32, #tpu.memory_space<vmem>>
        %dma_wait3A_310 = arith.constant 256 : i32
        %dma_wait3A_311 = tpu.memref_slice %arg5[%dma_wait3A_304, %dma_wait3A_310] : memref<2x640xi32, #tpu.memory_space<vmem>> -> memref<1x128xi32, #tpu.memory_space<vmem>>
        %dma_wait3A_312 = tpu.memref_squeeze %dma_wait3A_311 : memref<1x128xi32, #tpu.memory_space<vmem>> -> memref<128xi32, #tpu.memory_space<vmem>>
        %dma_wait3A_313 = arith.constant 0 : i32
        %dma_wait3A_314 = arith.constant 0 : i32
        %dma_wait3A_315 = tpu.memref_slice %arg3[%dma_wait3A_313, %dma_wait3A_314] : memref<2097152x32xf32, #tpu.memory_space<hbm>> -> memref<2097152x32xf32, #tpu.memory_space<hbm>>
        tpu.wait_indirect_dma semaphore(%arg10 : memref<!tpu.dma_semaphore, #tpu.memory_space<semaphore_mem>>) src(%dma_wait3A_315 : memref<2097152x32xf32, #tpu.memory_space<hbm>>) dst(%dma_wait3A_309 : memref<128x32xf32, #tpu.memory_space<vmem>>)
        %dma_wait3A_316 = arith.constant 1 : i32
        %dma_wait3A_317 = arith.constant 1 : i32
        %dma_wait3A_318 = arith.constant 384 : i32
        %dma_wait3A_319 = arith.constant 0 : i32
        %dma_wait3A_320 = tpu.memref_slice %arg6[%dma_wait3A_317, %dma_wait3A_318, %dma_wait3A_319] : memref<2x640x32xf32, #tpu.memory_space<vmem>> -> memref<1x128x32xf32, #tpu.memory_space<vmem>>
        %dma_wait3A_321 = tpu.memref_squeeze %dma_wait3A_320 : memref<1x128x32xf32, #tpu.memory_space<vmem>> -> memref<128x32xf32, #tpu.memory_space<vmem>>
        %dma_wait3A_322 = arith.constant 384 : i32
        %dma_wait3A_323 = tpu.memref_slice %arg5[%dma_wait3A_316, %dma_wait3A_322] : memref<2x640xi32, #tpu.memory_space<vmem>> -> memref<1x128xi32, #tpu.memory_space<vmem>>
        %dma_wait3A_324 = tpu.memref_squeeze %dma_wait3A_323 : memref<1x128xi32, #tpu.memory_space<vmem>> -> memref<128xi32, #tpu.memory_space<vmem>>
        %dma_wait3A_325 = arith.constant 0 : i32
        %dma_wait3A_326 = arith.constant 0 : i32
        %dma_wait3A_327 = tpu.memref_slice %arg3[%dma_wait3A_325, %dma_wait3A_326] : memref<2097152x32xf32, #tpu.memory_space<hbm>> -> memref<2097152x32xf32, #tpu.memory_space<hbm>>
        tpu.wait_indirect_dma semaphore(%arg10 : memref<!tpu.dma_semaphore, #tpu.memory_space<semaphore_mem>>) src(%dma_wait3A_327 : memref<2097152x32xf32, #tpu.memory_space<hbm>>) dst(%dma_wait3A_321 : memref<128x32xf32, #tpu.memory_space<vmem>>)
        %dma_wait3A_328 = arith.constant 1 : i32
        %dma_wait3A_329 = arith.constant 1 : i32
        %dma_wait3A_330 = arith.constant 512 : i32
        %dma_wait3A_331 = arith.constant 0 : i32
        %dma_wait3A_332 = tpu.memref_slice %arg6[%dma_wait3A_329, %dma_wait3A_330, %dma_wait3A_331] : memref<2x640x32xf32, #tpu.memory_space<vmem>> -> memref<1x128x32xf32, #tpu.memory_space<vmem>>
        %dma_wait3A_333 = tpu.memref_squeeze %dma_wait3A_332 : memref<1x128x32xf32, #tpu.memory_space<vmem>> -> memref<128x32xf32, #tpu.memory_space<vmem>>
        %dma_wait3A_334 = arith.constant 512 : i32
        %dma_wait3A_335 = tpu.memref_slice %arg5[%dma_wait3A_328, %dma_wait3A_334] : memref<2x640xi32, #tpu.memory_space<vmem>> -> memref<1x128xi32, #tpu.memory_space<vmem>>
        %dma_wait3A_336 = tpu.memref_squeeze %dma_wait3A_335 : memref<1x128xi32, #tpu.memory_space<vmem>> -> memref<128xi32, #tpu.memory_space<vmem>>
        %dma_wait3A_337 = arith.constant 0 : i32
        %dma_wait3A_338 = arith.constant 0 : i32
        %dma_wait3A_339 = tpu.memref_slice %arg3[%dma_wait3A_337, %dma_wait3A_338] : memref<2097152x32xf32, #tpu.memory_space<hbm>> -> memref<2097152x32xf32, #tpu.memory_space<hbm>>
        tpu.wait_indirect_dma semaphore(%arg10 : memref<!tpu.dma_semaphore, #tpu.memory_space<semaphore_mem>>) src(%dma_wait3A_339 : memref<2097152x32xf32, #tpu.memory_space<hbm>>) dst(%dma_wait3A_333 : memref<128x32xf32, #tpu.memory_space<vmem>>)
        %add3A_340 = arith.constant 2 : i32
        %add3A_341 = arith.addi %add3A_150, %add3A_340 : i32
        %mul3A_342 = arith.constant 32 : i32
        %mul3A_343 = arith.muli %add3A_341, %mul3A_342 : i32
        %add3A_344 = arith.addi %add3A, %mul3A_343 : i32
        %lt3A_345 = arith.constant 3125 : i32
        %lt3A_346 = arith.cmpi slt, %add3A_344, %lt3A_345 : i32
        %convert_element_type3A_347 = arith.extui %lt3A_346 : i1 to i32
        %cond3A_348 = arith.constant 0 : i32
        %cond3A_349 = arith.cmpi ne, %convert_element_type3A_347, %cond3A_348 : i32
        scf.if %cond3A_349 {
          %add3A_368 = arith.constant 2 : i32
          %add3A_369 = arith.addi %add3A_150, %add3A_368 : i32
          %mul3A_370 = arith.constant 32 : i32
          %mul3A_371 = arith.muli %add3A_369, %mul3A_370 : i32
          %add3A_372 = arith.addi %add3A, %mul3A_371 : i32
          %jit3A_373 = arith.constant 25 : i32
          %div3A_374 = arith.divsi %add3A_372, %jit3A_373 : i32
          %sign3A_375 = arith.constant 0 : i32
          %sign3A_376 = arith.cmpi sgt, %add3A_372, %sign3A_375 : i32
          %sign3A_377 = arith.extui %sign3A_376 : i1 to i32
          %sign3A_378 = arith.constant 0 : i32
          %sign3A_379 = arith.cmpi slt, %add3A_372, %sign3A_378 : i32
          %sign3A_380 = arith.extui %sign3A_379 : i1 to i32
          %sign3A_381 = arith.subi %sign3A_377, %sign3A_380 : i32
          %sign3A_382 = arith.constant 0 : i32
          %sign3A_383 = arith.cmpi sgt, %jit3A_373, %sign3A_382 : i32
          %sign3A_384 = arith.extui %sign3A_383 : i1 to i32
          %sign3A_385 = arith.constant 0 : i32
          %sign3A_386 = arith.cmpi slt, %jit3A_373, %sign3A_385 : i32
          %sign3A_387 = arith.extui %sign3A_386 : i1 to i32
          %sign3A_388 = arith.subi %sign3A_384, %sign3A_387 : i32
          %ne3A_389 = arith.cmpi ne, %sign3A_381, %sign3A_388 : i32
          %rem3A_390 = arith.remsi %add3A_372, %jit3A_373 : i32
          %ne3A_391 = arith.constant 0 : i32
          %ne3A_392 = arith.cmpi ne, %rem3A_390, %ne3A_391 : i32
          %and3A_393 = arith.andi %ne3A_389, %ne3A_392 : i1
          %sub3A_394 = arith.constant 1 : i32
          %sub3A_395 = arith.subi %div3A_374, %sub3A_394 : i32
          %select_n3A_396 = arith.select %and3A_393, %sub3A_395, %div3A_374 : i32
          %jit3A_397 = arith.constant 25 : i32
          %eq3A_398 = arith.constant 0 : i32
          %eq3A_399 = arith.cmpi eq, %jit3A_397, %eq3A_398 : i32
          %jit3A_400 = arith.constant 1 : i32
          %select_n3A_401 = arith.select %eq3A_399, %jit3A_400, %jit3A_397 : i32
          %rem3A_402 = arith.remsi %add3A_372, %select_n3A_401 : i32
          %ne3A_403 = arith.constant 0 : i32
          %ne3A_404 = arith.cmpi ne, %rem3A_402, %ne3A_403 : i32
          %lt3A_405 = arith.constant 0 : i32
          %lt3A_406 = arith.cmpi slt, %rem3A_402, %lt3A_405 : i32
          %lt3A_407 = arith.constant 0 : i32
          %lt3A_408 = arith.cmpi slt, %select_n3A_401, %lt3A_407 : i32
          %ne3A_409 = arith.xori %lt3A_406, %lt3A_408 : i1
          %and3A_410 = arith.andi %ne3A_409, %ne3A_404 : i1
          %add3A_411 = arith.addi %rem3A_402, %select_n3A_401 : i32
          %select_n3A_412 = arith.select %and3A_410, %add3A_411, %rem3A_402 : i32
          %mul3A_413 = arith.constant 640 : i32
          %mul3A_414 = arith.muli %select_n3A_412, %mul3A_413 : i32
          %dma_start3A_415 = arith.constant 0 : i32
          %dma_start3A_416 = arith.constant 1 : i32
          %dma_start3A_417 = arith.constant 0 : i32
          %dma_start3A_418 = tpu.memref_slice %arg5[%dma_start3A_416, %dma_start3A_417] : memref<2x640xi32, #tpu.memory_space<vmem>> -> memref<1x640xi32, #tpu.memory_space<vmem>>
          %dma_start3A_419 = tpu.memref_squeeze %dma_start3A_418 : memref<1x640xi32, #tpu.memory_space<vmem>> -> memref<640xi32, #tpu.memory_space<vmem>>
          %dma_start3A_420 = tpu.memref_slice %arg2[%select_n3A_396, %dma_start3A_415, %mul3A_414] : memref<125x1x16000xi32, #tpu.memory_space<hbm>> -> memref<1x1x640xi32, #tpu.memory_space<hbm>>
          %dma_start3A_421 = tpu.memref_squeeze %dma_start3A_420 : memref<1x1x640xi32, #tpu.memory_space<hbm>> -> memref<640xi32, #tpu.memory_space<hbm>>
          %dma_start3A_422 = arith.constant 0 : i32
          %dma_start3A_423 = tpu.memref_slice %arg5[%dma_start3A_416, %dma_start3A_422] : memref<2x640xi32, #tpu.memory_space<vmem>> -> memref<1x640xi32, #tpu.memory_space<vmem>>
          %dma_start3A_424 = tpu.memref_squeeze %dma_start3A_423 : memref<1x640xi32, #tpu.memory_space<vmem>> -> memref<640xi32, #tpu.memory_space<vmem>>
          %dma_start3A_425 = tpu.memref_slice %arg2[%select_n3A_396, %dma_start3A_415, %mul3A_414] : memref<125x1x16000xi32, #tpu.memory_space<hbm>> -> memref<1x1x640xi32, #tpu.memory_space<hbm>>
          %dma_start3A_426 = tpu.memref_squeeze %dma_start3A_425 : memref<1x1x640xi32, #tpu.memory_space<hbm>> -> memref<640xi32, #tpu.memory_space<hbm>>
          tpu.enqueue_dma source(%dma_start3A_426 : memref<640xi32, #tpu.memory_space<hbm>>) target(%dma_start3A_424 : memref<640xi32, #tpu.memory_space<vmem>>) target_semaphore(%arg8 : memref<!tpu.dma_semaphore, #tpu.memory_space<semaphore_mem>>)
        } else {
        }
        %mul3A_350 = arith.constant 32 : i32
        %mul3A_351 = arith.muli %add3A_150, %mul3A_350 : i32
        %add3A_352 = arith.addi %add3A, %mul3A_351 : i32
        %mul3A_353 = arith.constant 640 : i32
        %mul3A_354 = arith.muli %add3A_352, %mul3A_353 : i32
        %dma_start3A_355 = arith.constant 1 : i32
        %dma_start3A_356 = arith.constant 0 : i32
        %dma_start3A_357 = arith.constant 0 : i32
        %dma_start3A_358 = tpu.memref_slice %arg6[%dma_start3A_355, %dma_start3A_356, %dma_start3A_357] : memref<2x640x32xf32, #tpu.memory_space<vmem>> -> memref<1x640x32xf32, #tpu.memory_space<vmem>>
        %dma_start3A_359 = tpu.memref_squeeze %dma_start3A_358 : memref<1x640x32xf32, #tpu.memory_space<vmem>> -> memref<640x32xf32, #tpu.memory_space<vmem>>
        %dma_start3A_360 = arith.constant 0 : i32
        %dma_start3A_361 = tpu.memref_slice %arg4[%mul3A_354, %dma_start3A_360] : memref<2000000x32xf32, #tpu.memory_space<hbm>> -> memref<640x32xf32, #tpu.memory_space<hbm>>
        %dma_start3A_362 = arith.constant 0 : i32
        %dma_start3A_363 = tpu.memref_slice %arg4[%mul3A_354, %dma_start3A_362] : memref<2000000x32xf32, #tpu.memory_space<hbm>> -> memref<640x32xf32, #tpu.memory_space<hbm>>
        %dma_start3A_364 = arith.constant 0 : i32
        %dma_start3A_365 = arith.constant 0 : i32
        %dma_start3A_366 = tpu.memref_slice %arg6[%dma_start3A_355, %dma_start3A_364, %dma_start3A_365] : memref<2x640x32xf32, #tpu.memory_space<vmem>> -> memref<1x640x32xf32, #tpu.memory_space<vmem>>
        %dma_start3A_367 = tpu.memref_squeeze %dma_start3A_366 : memref<1x640x32xf32, #tpu.memory_space<vmem>> -> memref<640x32xf32, #tpu.memory_space<vmem>>
        tpu.enqueue_dma source(%dma_start3A_367 : memref<640x32xf32, #tpu.memory_space<vmem>>) target(%dma_start3A_363 : memref<640x32xf32, #tpu.memory_space<hbm>>) target_semaphore(%arg12 : memref<!tpu.dma_semaphore, #tpu.memory_space<semaphore_mem>>)
      } else {
      }
    }
    %scan3A_106 = arith.constant 49 : i32
    %dma_wait3A = arith.constant 0 : i32
    %dma_wait3A_107 = arith.constant 0 : i32
    %dma_wait3A_108 = arith.constant 0 : i32
    %dma_wait3A_109 = tpu.memref_slice %arg6[%dma_wait3A, %dma_wait3A_107, %dma_wait3A_108] : memref<2x640x32xf32, #tpu.memory_space<vmem>> -> memref<1x640x32xf32, #tpu.memory_space<vmem>>
    %dma_wait3A_110 = tpu.memref_squeeze %dma_wait3A_109 : memref<1x640x32xf32, #tpu.memory_space<vmem>> -> memref<640x32xf32, #tpu.memory_space<vmem>>
    %dma_wait3A_111 = arith.constant 0 : i32
    %dma_wait3A_112 = arith.constant 0 : i32
    %dma_wait3A_113 = tpu.memref_slice %arg4[%dma_wait3A_111, %dma_wait3A_112] : memref<2000000x32xf32, #tpu.memory_space<hbm>> -> memref<640x32xf32, #tpu.memory_space<hbm>>
    %dma_wait3A_114 = arith.constant 0 : i32
    %dma_wait3A_115 = arith.constant 0 : i32
    %dma_wait3A_116 = tpu.memref_slice %arg6[%dma_wait3A, %dma_wait3A_114, %dma_wait3A_115] : memref<2x640x32xf32, #tpu.memory_space<vmem>> -> memref<1x640x32xf32, #tpu.memory_space<vmem>>
    %dma_wait3A_117 = tpu.memref_squeeze %dma_wait3A_116 : memref<1x640x32xf32, #tpu.memory_space<vmem>> -> memref<640x32xf32, #tpu.memory_space<vmem>>
    %dma_wait3A_118 = arith.constant 0 : i32
    %dma_wait3A_119 = arith.constant 0 : i32
    %dma_wait3A_120 = tpu.memref_slice %arg4[%dma_wait3A_118, %dma_wait3A_119] : memref<2000000x32xf32, #tpu.memory_space<hbm>> -> memref<640x32xf32, #tpu.memory_space<hbm>>
    tpu.wait_dma2 semaphore(%arg11 : memref<!tpu.dma_semaphore, #tpu.memory_space<semaphore_mem>>) src(%dma_wait3A_120 : memref<640x32xf32, #tpu.memory_space<hbm>>) dst(%dma_wait3A_117 : memref<640x32xf32, #tpu.memory_space<vmem>>)
    %dma_wait3A_121 = arith.constant 1 : i32
    %dma_wait3A_122 = arith.constant 0 : i32
    %dma_wait3A_123 = arith.constant 0 : i32
    %dma_wait3A_124 = tpu.memref_slice %arg6[%dma_wait3A_121, %dma_wait3A_122, %dma_wait3A_123] : memref<2x640x32xf32, #tpu.memory_space<vmem>> -> memref<1x640x32xf32, #tpu.memory_space<vmem>>
    %dma_wait3A_125 = tpu.memref_squeeze %dma_wait3A_124 : memref<1x640x32xf32, #tpu.memory_space<vmem>> -> memref<640x32xf32, #tpu.memory_space<vmem>>
    %dma_wait3A_126 = arith.constant 0 : i32
    %dma_wait3A_127 = arith.constant 0 : i32
    %dma_wait3A_128 = tpu.memref_slice %arg4[%dma_wait3A_126, %dma_wait3A_127] : memref<2000000x32xf32, #tpu.memory_space<hbm>> -> memref<640x32xf32, #tpu.memory_space<hbm>>
    %dma_wait3A_129 = arith.constant 0 : i32
    %dma_wait3A_130 = arith.constant 0 : i32
    %dma_wait3A_131 = tpu.memref_slice %arg6[%dma_wait3A_121, %dma_wait3A_129, %dma_wait3A_130] : memref<2x640x32xf32, #tpu.memory_space<vmem>> -> memref<1x640x32xf32, #tpu.memory_space<vmem>>
    %dma_wait3A_132 = tpu.memref_squeeze %dma_wait3A_131 : memref<1x640x32xf32, #tpu.memory_space<vmem>> -> memref<640x32xf32, #tpu.memory_space<vmem>>
    %dma_wait3A_133 = arith.constant 0 : i32
    %dma_wait3A_134 = arith.constant 0 : i32
    %dma_wait3A_135 = tpu.memref_slice %arg4[%dma_wait3A_133, %dma_wait3A_134] : memref<2000000x32xf32, #tpu.memory_space<hbm>> -> memref<640x32xf32, #tpu.memory_space<hbm>>
    tpu.wait_dma2 semaphore(%arg12 : memref<!tpu.dma_semaphore, #tpu.memory_space<semaphore_mem>>) src(%dma_wait3A_135 : memref<640x32xf32, #tpu.memory_space<hbm>>) dst(%dma_wait3A_132 : memref<640x32xf32, #tpu.memory_space<vmem>>)
    return
  }
}

module attributes {stable_mosaic.version = 14 : i64} {
  func.func @_idx_body(%arg0: i32, %arg1: memref<3x16000xf32, #tpu.memory_space<vmem>>, %arg2: memref<1x1x16000xi32, #tpu.memory_space<vmem>>) attributes {dimension_semantics = [#tpu.dimension_semantics<arbitrary>], iteration_bounds = array<i64: 125>, scalar_prefetch = 0 : i64, scratch_operands = 0 : i64, tpu.core_type = #tpu.core_type<tc>, window_params = [{transform_indices = @transform_0, window_bounds = array<i64: 3, 16000>}, {transform_indices = @transform_1, window_bounds = array<i64: 1, 1, 16000>}]} {
    %get3A = arith.constant 0 : index
    %get3A_0 = arith.constant 0 : index
    %get3A_1 = vector.load %arg1[%get3A, %get3A_0] : memref<3x16000xf32, #tpu.memory_space<vmem>>, vector<1x16000xf32>
    %mul3A = arith.constant 1.270000e+02 : f32
    %mul3A_2 = vector.broadcast %mul3A : f32 to vector<1x16000xf32>
    %mul3A_3 = arith.mulf %get3A_1, %mul3A_2 : vector<1x16000xf32>
    %jit3A = arith.constant 0.000000e+00 : f32
    %jit3A_4 = arith.constant 1.270000e+02 : f32
    %max3A = vector.broadcast %jit3A : f32 to vector<1x16000xf32>
    %max3A_5 = arith.maximumf %max3A, %mul3A_3 : vector<1x16000xf32>
    %min3A = vector.broadcast %jit3A_4 : f32 to vector<1x16000xf32>
    %min3A_6 = arith.minimumf %min3A, %max3A_5 : vector<1x16000xf32>
    %add3A = arith.constant 0x4B000000 : f32
    %add3A_7 = vector.broadcast %add3A : f32 to vector<1x16000xf32>
    %add3A_8 = arith.addf %min3A_6, %add3A_7 : vector<1x16000xf32>
    %sub3A = arith.constant 0x4B000000 : f32
    %sub3A_9 = vector.broadcast %sub3A : f32 to vector<1x16000xf32>
    %sub3A_10 = arith.subf %add3A_8, %sub3A_9 : vector<1x16000xf32>
    %get3A_11 = arith.constant 1 : index
    %get3A_12 = arith.constant 0 : index
    %get3A_13 = vector.load %arg1[%get3A_11, %get3A_12] : memref<3x16000xf32, #tpu.memory_space<vmem>>, vector<1x16000xf32>
    %mul3A_14 = arith.constant 1.270000e+02 : f32
    %mul3A_15 = vector.broadcast %mul3A_14 : f32 to vector<1x16000xf32>
    %mul3A_16 = arith.mulf %get3A_13, %mul3A_15 : vector<1x16000xf32>
    %jit3A_17 = arith.constant 0.000000e+00 : f32
    %jit3A_18 = arith.constant 1.270000e+02 : f32
    %max3A_19 = vector.broadcast %jit3A_17 : f32 to vector<1x16000xf32>
    %max3A_20 = arith.maximumf %max3A_19, %mul3A_16 : vector<1x16000xf32>
    %min3A_21 = vector.broadcast %jit3A_18 : f32 to vector<1x16000xf32>
    %min3A_22 = arith.minimumf %min3A_21, %max3A_20 : vector<1x16000xf32>
    %add3A_23 = arith.constant 0x4B000000 : f32
    %add3A_24 = vector.broadcast %add3A_23 : f32 to vector<1x16000xf32>
    %add3A_25 = arith.addf %min3A_22, %add3A_24 : vector<1x16000xf32>
    %sub3A_26 = arith.constant 0x4B000000 : f32
    %sub3A_27 = vector.broadcast %sub3A_26 : f32 to vector<1x16000xf32>
    %sub3A_28 = arith.subf %add3A_25, %sub3A_27 : vector<1x16000xf32>
    %get3A_29 = arith.constant 2 : index
    %get3A_30 = arith.constant 0 : index
    %get3A_31 = vector.load %arg1[%get3A_29, %get3A_30] : memref<3x16000xf32, #tpu.memory_space<vmem>>, vector<1x16000xf32>
    %mul3A_32 = arith.constant 1.270000e+02 : f32
    %mul3A_33 = vector.broadcast %mul3A_32 : f32 to vector<1x16000xf32>
    %mul3A_34 = arith.mulf %get3A_31, %mul3A_33 : vector<1x16000xf32>
    %jit3A_35 = arith.constant 0.000000e+00 : f32
    %jit3A_36 = arith.constant 1.270000e+02 : f32
    %max3A_37 = vector.broadcast %jit3A_35 : f32 to vector<1x16000xf32>
    %max3A_38 = arith.maximumf %max3A_37, %mul3A_34 : vector<1x16000xf32>
    %min3A_39 = vector.broadcast %jit3A_36 : f32 to vector<1x16000xf32>
    %min3A_40 = arith.minimumf %min3A_39, %max3A_38 : vector<1x16000xf32>
    %add3A_41 = arith.constant 0x4B000000 : f32
    %add3A_42 = vector.broadcast %add3A_41 : f32 to vector<1x16000xf32>
    %add3A_43 = arith.addf %min3A_40, %add3A_42 : vector<1x16000xf32>
    %sub3A_44 = arith.constant 0x4B000000 : f32
    %sub3A_45 = vector.broadcast %sub3A_44 : f32 to vector<1x16000xf32>
    %sub3A_46 = arith.subf %add3A_43, %sub3A_45 : vector<1x16000xf32>
    %mul3A_47 = arith.constant 2.500000e-01 : f32
    %mul3A_48 = vector.broadcast %mul3A_47 : f32 to vector<1x16000xf32>
    %mul3A_49 = arith.mulf %sub3A_28, %mul3A_48 : vector<1x16000xf32>
    %floor3A = math.floor %mul3A_49 : vector<1x16000xf32>
    %mul3A_50 = arith.constant 4.000000e+00 : f32
    %mul3A_51 = vector.broadcast %mul3A_50 : f32 to vector<1x16000xf32>
    %mul3A_52 = arith.mulf %floor3A, %mul3A_51 : vector<1x16000xf32>
    %sub3A_53 = arith.subf %sub3A_28, %mul3A_52 : vector<1x16000xf32>
    %mul3A_54 = arith.constant 1.638400e+04 : f32
    %mul3A_55 = vector.broadcast %mul3A_54 : f32 to vector<1x16000xf32>
    %mul3A_56 = arith.mulf %sub3A_10, %mul3A_55 : vector<1x16000xf32>
    %mul3A_57 = arith.constant 5.120000e+02 : f32
    %mul3A_58 = vector.broadcast %mul3A_57 : f32 to vector<1x16000xf32>
    %mul3A_59 = arith.mulf %floor3A, %mul3A_58 : vector<1x16000xf32>
    %add3A_60 = arith.addf %mul3A_56, %mul3A_59 : vector<1x16000xf32>
    %mul3A_61 = arith.constant 4.000000e+00 : f32
    %mul3A_62 = vector.broadcast %mul3A_61 : f32 to vector<1x16000xf32>
    %mul3A_63 = arith.mulf %sub3A_46, %mul3A_62 : vector<1x16000xf32>
    %add3A_64 = arith.addf %add3A_60, %mul3A_63 : vector<1x16000xf32>
    %add3A_65 = arith.addf %add3A_64, %sub3A_53 : vector<1x16000xf32>
    %convert_element_type3A = arith.fptosi %add3A_65 : vector<1x16000xf32> to vector<1x16000xi32>
    %swap3A = arith.constant 0 : index
    %swap3A_66 = arith.constant 0 : index
    %swap3A_67 = arith.constant 0 : index
    %swap3A_68 = vector.load %arg2[%swap3A, %swap3A_66, %swap3A_67] : memref<1x1x16000xi32, #tpu.memory_space<vmem>>, vector<1x1x16000xi32>
    %swap3A_69 = vector.shape_cast %swap3A_68 : vector<1x1x16000xi32> to vector<1x16000xi32>
    %swap3A_70 = vector.shape_cast %convert_element_type3A : vector<1x16000xi32> to vector<1x1x16000xi32>
    tpu.vector_store %arg2[%swap3A, %swap3A_66, %swap3A_67], %swap3A_70 {strides = array<i32>} : memref<1x1x16000xi32, #tpu.memory_space<vmem>>, vector<1x1x16000xi32>,
    return
  }
  func.func @transform_0(%arg0: i32) -> (i32, i32) {
    %c0_i32 = arith.constant 0 : i32
    %c0_i32_0 = arith.constant 0 : i32
    return %c0_i32, %arg0 : i32, i32
  }
  func.func @transform_1(%arg0: i32) -> (i32, i32, i32) {
    %c0_i32 = arith.constant 0 : i32
    %c0_i32_0 = arith.constant 0 : i32
    %c0_i32_1 = arith.constant 0 : i32
    return %arg0, %c0_i32, %c0_i32_0 : i32, i32, i32
  }
}

module attributes {stable_mosaic.version = 14 : i64} {
  func.func @_tr_body(%arg0: i32, %arg1: i32, %arg2: memref<1x128x32x128xf32, #tpu.memory_space<vmem>>, %arg3: memref<32x128x128xf32, #tpu.memory_space<vmem>>) attributes {dimension_semantics = [#tpu.dimension_semantics<arbitrary>, #tpu.dimension_semantics<arbitrary>], iteration_bounds = array<i64: 128, 1>, scalar_prefetch = 0 : i64, scratch_operands = 0 : i64, tpu.core_type = #tpu.core_type<tc>, window_params = [{transform_indices = @transform_0, window_bounds = array<i64: 1, 128, 32, 128>}, {transform_indices = @transform_1, window_bounds = array<i64: 32, 128, 128>}]} {
    %get3A = arith.constant 0 : index
    %get3A_0 = arith.constant 0 : index
    %get3A_1 = arith.constant 0 : index
    %get3A_2 = arith.constant 0 : index
    %get3A_3 = vector.load %arg2[%get3A, %get3A_0, %get3A_1, %get3A_2] : memref<1x128x32x128xf32, #tpu.memory_space<vmem>>, vector<1x1x32x128xf32>
    %get3A_4 = vector.shape_cast %get3A_3 : vector<1x1x32x128xf32> to vector<32x128xf32>
    %transpose3A = tpu.transpose %get3A_4, [1, 0] : vector<32x128xf32> -> vector<128x32xf32>
    %get3A_5 = arith.constant 0 : index
    %get3A_6 = arith.constant 1 : index
    %get3A_7 = arith.constant 0 : index
    %get3A_8 = arith.constant 0 : index
    %get3A_9 = vector.load %arg2[%get3A_5, %get3A_6, %get3A_7, %get3A_8] : memref<1x128x32x128xf32, #tpu.memory_space<vmem>>, vector<1x1x32x128xf32>
    %get3A_10 = vector.shape_cast %get3A_9 : vector<1x1x32x128xf32> to vector<32x128xf32>
    %transpose3A_11 = tpu.transpose %get3A_10, [1, 0] : vector<32x128xf32> -> vector<128x32xf32>
    %get3A_12 = arith.constant 0 : index
    %get3A_13 = arith.constant 2 : index
    %get3A_14 = arith.constant 0 : index
    %get3A_15 = arith.constant 0 : index
    %get3A_16 = vector.load %arg2[%get3A_12, %get3A_13, %get3A_14, %get3A_15] : memref<1x128x32x128xf32, #tpu.memory_space<vmem>>, vector<1x1x32x128xf32>
    %get3A_17 = vector.shape_cast %get3A_16 : vector<1x1x32x128xf32> to vector<32x128xf32>
    %transpose3A_18 = tpu.transpose %get3A_17, [1, 0] : vector<32x128xf32> -> vector<128x32xf32>
    %get3A_19 = arith.constant 0 : index
    %get3A_20 = arith.constant 3 : index
    %get3A_21 = arith.constant 0 : index
    %get3A_22 = arith.constant 0 : index
    %get3A_23 = vector.load %arg2[%get3A_19, %get3A_20, %get3A_21, %get3A_22] : memref<1x128x32x128xf32, #tpu.memory_space<vmem>>, vector<1x1x32x128xf32>
    %get3A_24 = vector.shape_cast %get3A_23 : vector<1x1x32x128xf32> to vector<32x128xf32>
    %transpose3A_25 = tpu.transpose %get3A_24, [1, 0] : vector<32x128xf32> -> vector<128x32xf32>
    %concatenate3A = tpu.concatenate %transpose3A, %transpose3A_11, %transpose3A_18, %transpose3A_25 in 1 : vector<128x32xf32>, vector<128x32xf32>, vector<128x32xf32>, vector<128x32xf32> -> vector<128x128xf32>
    %swap3A = arith.constant 0 : index
    %swap3A_26 = arith.constant 0 : index
    %swap3A_27 = arith.constant 0 : index
    %swap3A_28 = vector.load %arg3[%swap3A, %swap3A_26, %swap3A_27] : memref<32x128x128xf32, #tpu.memory_space<vmem>>, vector<1x128x128xf32>
    %swap3A_29 = vector.shape_cast %swap3A_28 : vector<1x128x128xf32> to vector<128x128xf32>
    %swap3A_30 = vector.shape_cast %concatenate3A : vector<128x128xf32> to vector<1x128x128xf32>
    tpu.vector_store %arg3[%swap3A, %swap3A_26, %swap3A_27], %swap3A_30 {strides = array<i32>} : memref<32x128x128xf32, #tpu.memory_space<vmem>>, vector<1x128x128xf32>,
    %get3A_31 = arith.constant 0 : index
    %get3A_32 = arith.constant 4 : index
    %get3A_33 = arith.constant 0 : index
    %get3A_34 = arith.constant 0 : index
    %get3A_35 = vector.load %arg2[%get3A_31, %get3A_32, %get3A_33, %get3A_34] : memref<1x128x32x128xf32, #tpu.memory_space<vmem>>, vector<1x1x32x128xf32>
    %get3A_36 = vector.shape_cast %get3A_35 : vector<1x1x32x128xf32> to vector<32x128xf32>
    %transpose3A_37 = tpu.transpose %get3A_36, [1, 0] : vector<32x128xf32> -> vector<128x32xf32>
    %get3A_38 = arith.constant 0 : index
    %get3A_39 = arith.constant 5 : index
    %get3A_40 = arith.constant 0 : index
    %get3A_41 = arith.constant 0 : index
    %get3A_42 = vector.load %arg2[%get3A_38, %get3A_39, %get3A_40, %get3A_41] : memref<1x128x32x128xf32, #tpu.memory_space<vmem>>, vector<1x1x32x128xf32>
    %get3A_43 = vector.shape_cast %get3A_42 : vector<1x1x32x128xf32> to vector<32x128xf32>
    %transpose3A_44 = tpu.transpose %get3A_43, [1, 0] : vector<32x128xf32> -> vector<128x32xf32>
    %get3A_45 = arith.constant 0 : index
    %get3A_46 = arith.constant 6 : index
    %get3A_47 = arith.constant 0 : index
    %get3A_48 = arith.constant 0 : index
    %get3A_49 = vector.load %arg2[%get3A_45, %get3A_46, %get3A_47, %get3A_48] : memref<1x128x32x128xf32, #tpu.memory_space<vmem>>, vector<1x1x32x128xf32>
    %get3A_50 = vector.shape_cast %get3A_49 : vector<1x1x32x128xf32> to vector<32x128xf32>
    %transpose3A_51 = tpu.transpose %get3A_50, [1, 0] : vector<32x128xf32> -> vector<128x32xf32>
    %get3A_52 = arith.constant 0 : index
    %get3A_53 = arith.constant 7 : index
    %get3A_54 = arith.constant 0 : index
    %get3A_55 = arith.constant 0 : index
    %get3A_56 = vector.load %arg2[%get3A_52, %get3A_53, %get3A_54, %get3A_55] : memref<1x128x32x128xf32, #tpu.memory_space<vmem>>, vector<1x1x32x128xf32>
    %get3A_57 = vector.shape_cast %get3A_56 : vector<1x1x32x128xf32> to vector<32x128xf32>
    %transpose3A_58 = tpu.transpose %get3A_57, [1, 0] : vector<32x128xf32> -> vector<128x32xf32>
    %concatenate3A_59 = tpu.concatenate %transpose3A_37, %transpose3A_44, %transpose3A_51, %transpose3A_58 in 1 : vector<128x32xf32>, vector<128x32xf32>, vector<128x32xf32>, vector<128x32xf32> -> vector<128x128xf32>
    %swap3A_60 = arith.constant 1 : index
    %swap3A_61 = arith.constant 0 : index
    %swap3A_62 = arith.constant 0 : index
    %swap3A_63 = vector.load %arg3[%swap3A_60, %swap3A_61, %swap3A_62] : memref<32x128x128xf32, #tpu.memory_space<vmem>>, vector<1x128x128xf32>
    %swap3A_64 = vector.shape_cast %swap3A_63 : vector<1x128x128xf32> to vector<128x128xf32>
    %swap3A_65 = vector.shape_cast %concatenate3A_59 : vector<128x128xf32> to vector<1x128x128xf32>
    tpu.vector_store %arg3[%swap3A_60, %swap3A_61, %swap3A_62], %swap3A_65 {strides = array<i32>} : memref<32x128x128xf32, #tpu.memory_space<vmem>>, vector<1x128x128xf32>,
    %get3A_66 = arith.constant 0 : index
    %get3A_67 = arith.constant 8 : index
    %get3A_68 = arith.constant 0 : index
    %get3A_69 = arith.constant 0 : index
    %get3A_70 = vector.load %arg2[%get3A_66, %get3A_67, %get3A_68, %get3A_69] : memref<1x128x32x128xf32, #tpu.memory_space<vmem>>, vector<1x1x32x128xf32>
    %get3A_71 = vector.shape_cast %get3A_70 : vector<1x1x32x128xf32> to vector<32x128xf32>
    %transpose3A_72 = tpu.transpose %get3A_71, [1, 0] : vector<32x128xf32> -> vector<128x32xf32>
    %get3A_73 = arith.constant 0 : index
    %get3A_74 = arith.constant 9 : index
    %get3A_75 = arith.constant 0 : index
    %get3A_76 = arith.constant 0 : index
    %get3A_77 = vector.load %arg2[%get3A_73, %get3A_74, %get3A_75, %get3A_76] : memref<1x128x32x128xf32, #tpu.memory_space<vmem>>, vector<1x1x32x128xf32>
    %get3A_78 = vector.shape_cast %get3A_77 : vector<1x1x32x128xf32> to vector<32x128xf32>
    %transpose3A_79 = tpu.transpose %get3A_78, [1, 0] : vector<32x128xf32> -> vector<128x32xf32>
    %get3A_80 = arith.constant 0 : index
    %get3A_81 = arith.constant 10 : index
    %get3A_82 = arith.constant 0 : index
    %get3A_83 = arith.constant 0 : index
    %get3A_84 = vector.load %arg2[%get3A_80, %get3A_81, %get3A_82, %get3A_83] : memref<1x128x32x128xf32, #tpu.memory_space<vmem>>, vector<1x1x32x128xf32>
    %get3A_85 = vector.shape_cast %get3A_84 : vector<1x1x32x128xf32> to vector<32x128xf32>
    %transpose3A_86 = tpu.transpose %get3A_85, [1, 0] : vector<32x128xf32> -> vector<128x32xf32>
    %get3A_87 = arith.constant 0 : index
    %get3A_88 = arith.constant 11 : index
    %get3A_89 = arith.constant 0 : index
    %get3A_90 = arith.constant 0 : index
    %get3A_91 = vector.load %arg2[%get3A_87, %get3A_88, %get3A_89, %get3A_90] : memref<1x128x32x128xf32, #tpu.memory_space<vmem>>, vector<1x1x32x128xf32>
    %get3A_92 = vector.shape_cast %get3A_91 : vector<1x1x32x128xf32> to vector<32x128xf32>
    %transpose3A_93 = tpu.transpose %get3A_92, [1, 0] : vector<32x128xf32> -> vector<128x32xf32>
    %concatenate3A_94 = tpu.concatenate %transpose3A_72, %transpose3A_79, %transpose3A_86, %transpose3A_93 in 1 : vector<128x32xf32>, vector<128x32xf32>, vector<128x32xf32>, vector<128x32xf32> -> vector<128x128xf32>
    %swap3A_95 = arith.constant 2 : index
    %swap3A_96 = arith.constant 0 : index
    %swap3A_97 = arith.constant 0 : index
    %swap3A_98 = vector.load %arg3[%swap3A_95, %swap3A_96, %swap3A_97] : memref<32x128x128xf32, #tpu.memory_space<vmem>>, vector<1x128x128xf32>
    %swap3A_99 = vector.shape_cast %swap3A_98 : vector<1x128x128xf32> to vector<128x128xf32>
    %swap3A_100 = vector.shape_cast %concatenate3A_94 : vector<128x128xf32> to vector<1x128x128xf32>
    tpu.vector_store %arg3[%swap3A_95, %swap3A_96, %swap3A_97], %swap3A_100 {strides = array<i32>} : memref<32x128x128xf32, #tpu.memory_space<vmem>>, vector<1x128x128xf32>,
    %get3A_101 = arith.constant 0 : index
    %get3A_102 = arith.constant 12 : index
    %get3A_103 = arith.constant 0 : index
    %get3A_104 = arith.constant 0 : index
    %get3A_105 = vector.load %arg2[%get3A_101, %get3A_102, %get3A_103, %get3A_104] : memref<1x128x32x128xf32, #tpu.memory_space<vmem>>, vector<1x1x32x128xf32>
    %get3A_106 = vector.shape_cast %get3A_105 : vector<1x1x32x128xf32> to vector<32x128xf32>
    %transpose3A_107 = tpu.transpose %get3A_106, [1, 0] : vector<32x128xf32> -> vector<128x32xf32>
    %get3A_108 = arith.constant 0 : index
    %get3A_109 = arith.constant 13 : index
    %get3A_110 = arith.constant 0 : index
    %get3A_111 = arith.constant 0 : index
    %get3A_112 = vector.load %arg2[%get3A_108, %get3A_109, %get3A_110, %get3A_111] : memref<1x128x32x128xf32, #tpu.memory_space<vmem>>, vector<1x1x32x128xf32>
    %get3A_113 = vector.shape_cast %get3A_112 : vector<1x1x32x128xf32> to vector<32x128xf32>
    %transpose3A_114 = tpu.transpose %get3A_113, [1, 0] : vector<32x128xf32> -> vector<128x32xf32>
    %get3A_115 = arith.constant 0 : index
    %get3A_116 = arith.constant 14 : index
    %get3A_117 = arith.constant 0 : index
    %get3A_118 = arith.constant 0 : index
    %get3A_119 = vector.load %arg2[%get3A_115, %get3A_116, %get3A_117, %get3A_118] : memref<1x128x32x128xf32, #tpu.memory_space<vmem>>, vector<1x1x32x128xf32>
    %get3A_120 = vector.shape_cast %get3A_119 : vector<1x1x32x128xf32> to vector<32x128xf32>
    %transpose3A_121 = tpu.transpose %get3A_120, [1, 0] : vector<32x128xf32> -> vector<128x32xf32>
    %get3A_122 = arith.constant 0 : index
    %get3A_123 = arith.constant 15 : index
    %get3A_124 = arith.constant 0 : index
    %get3A_125 = arith.constant 0 : index
    %get3A_126 = vector.load %arg2[%get3A_122, %get3A_123, %get3A_124, %get3A_125] : memref<1x128x32x128xf32, #tpu.memory_space<vmem>>, vector<1x1x32x128xf32>
    %get3A_127 = vector.shape_cast %get3A_126 : vector<1x1x32x128xf32> to vector<32x128xf32>
    %transpose3A_128 = tpu.transpose %get3A_127, [1, 0] : vector<32x128xf32> -> vector<128x32xf32>
    %concatenate3A_129 = tpu.concatenate %transpose3A_107, %transpose3A_114, %transpose3A_121, %transpose3A_128 in 1 : vector<128x32xf32>, vector<128x32xf32>, vector<128x32xf32>, vector<128x32xf32> -> vector<128x128xf32>
    %swap3A_130 = arith.constant 3 : index
    %swap3A_131 = arith.constant 0 : index
    %swap3A_132 = arith.constant 0 : index
    %swap3A_133 = vector.load %arg3[%swap3A_130, %swap3A_131, %swap3A_132] : memref<32x128x128xf32, #tpu.memory_space<vmem>>, vector<1x128x128xf32>
    %swap3A_134 = vector.shape_cast %swap3A_133 : vector<1x128x128xf32> to vector<128x128xf32>
    %swap3A_135 = vector.shape_cast %concatenate3A_129 : vector<128x128xf32> to vector<1x128x128xf32>
    tpu.vector_store %arg3[%swap3A_130, %swap3A_131, %swap3A_132], %swap3A_135 {strides = array<i32>} : memref<32x128x128xf32, #tpu.memory_space<vmem>>, vector<1x128x128xf32>,
    %get3A_136 = arith.constant 0 : index
    %get3A_137 = arith.constant 16 : index
    %get3A_138 = arith.constant 0 : index
    %get3A_139 = arith.constant 0 : index
    %get3A_140 = vector.load %arg2[%get3A_136, %get3A_137, %get3A_138, %get3A_139] : memref<1x128x32x128xf32, #tpu.memory_space<vmem>>, vector<1x1x32x128xf32>
    %get3A_141 = vector.shape_cast %get3A_140 : vector<1x1x32x128xf32> to vector<32x128xf32>
    %transpose3A_142 = tpu.transpose %get3A_141, [1, 0] : vector<32x128xf32> -> vector<128x32xf32>
    %get3A_143 = arith.constant 0 : index
    %get3A_144 = arith.constant 17 : index
    %get3A_145 = arith.constant 0 : index
    %get3A_146 = arith.constant 0 : index
    %get3A_147 = vector.load %arg2[%get3A_143, %get3A_144, %get3A_145, %get3A_146] : memref<1x128x32x128xf32, #tpu.memory_space<vmem>>, vector<1x1x32x128xf32>
    %get3A_148 = vector.shape_cast %get3A_147 : vector<1x1x32x128xf32> to vector<32x128xf32>
    %transpose3A_149 = tpu.transpose %get3A_148, [1, 0] : vector<32x128xf32> -> vector<128x32xf32>
    %get3A_150 = arith.constant 0 : index
    %get3A_151 = arith.constant 18 : index
    %get3A_152 = arith.constant 0 : index
    %get3A_153 = arith.constant 0 : index
    %get3A_154 = vector.load %arg2[%get3A_150, %get3A_151, %get3A_152, %get3A_153] : memref<1x128x32x128xf32, #tpu.memory_space<vmem>>, vector<1x1x32x128xf32>
    %get3A_155 = vector.shape_cast %get3A_154 : vector<1x1x32x128xf32> to vector<32x128xf32>
    %transpose3A_156 = tpu.transpose %get3A_155, [1, 0] : vector<32x128xf32> -> vector<128x32xf32>
    %get3A_157 = arith.constant 0 : index
    %get3A_158 = arith.constant 19 : index
    %get3A_159 = arith.constant 0 : index
    %get3A_160 = arith.constant 0 : index
    %get3A_161 = vector.load %arg2[%get3A_157, %get3A_158, %get3A_159, %get3A_160] : memref<1x128x32x128xf32, #tpu.memory_space<vmem>>, vector<1x1x32x128xf32>
    %get3A_162 = vector.shape_cast %get3A_161 : vector<1x1x32x128xf32> to vector<32x128xf32>
    %transpose3A_163 = tpu.transpose %get3A_162, [1, 0] : vector<32x128xf32> -> vector<128x32xf32>
    %concatenate3A_164 = tpu.concatenate %transpose3A_142, %transpose3A_149, %transpose3A_156, %transpose3A_163 in 1 : vector<128x32xf32>, vector<128x32xf32>, vector<128x32xf32>, vector<128x32xf32> -> vector<128x128xf32>
    %swap3A_165 = arith.constant 4 : index
    %swap3A_166 = arith.constant 0 : index
    %swap3A_167 = arith.constant 0 : index
    %swap3A_168 = vector.load %arg3[%swap3A_165, %swap3A_166, %swap3A_167] : memref<32x128x128xf32, #tpu.memory_space<vmem>>, vector<1x128x128xf32>
    %swap3A_169 = vector.shape_cast %swap3A_168 : vector<1x128x128xf32> to vector<128x128xf32>
    %swap3A_170 = vector.shape_cast %concatenate3A_164 : vector<128x128xf32> to vector<1x128x128xf32>
    tpu.vector_store %arg3[%swap3A_165, %swap3A_166, %swap3A_167], %swap3A_170 {strides = array<i32>} : memref<32x128x128xf32, #tpu.memory_space<vmem>>, vector<1x128x128xf32>,
    %get3A_171 = arith.constant 0 : index
    %get3A_172 = arith.constant 20 : index
    %get3A_173 = arith.constant 0 : index
    %get3A_174 = arith.constant 0 : index
    %get3A_175 = vector.load %arg2[%get3A_171, %get3A_172, %get3A_173, %get3A_174] : memref<1x128x32x128xf32, #tpu.memory_space<vmem>>, vector<1x1x32x128xf32>
    %get3A_176 = vector.shape_cast %get3A_175 : vector<1x1x32x128xf32> to vector<32x128xf32>
    %transpose3A_177 = tpu.transpose %get3A_176, [1, 0] : vector<32x128xf32> -> vector<128x32xf32>
    %get3A_178 = arith.constant 0 : index
    %get3A_179 = arith.constant 21 : index
    %get3A_180 = arith.constant 0 : index
    %get3A_181 = arith.constant 0 : index
    %get3A_182 = vector.load %arg2[%get3A_178, %get3A_179, %get3A_180, %get3A_181] : memref<1x128x32x128xf32, #tpu.memory_space<vmem>>, vector<1x1x32x128xf32>
    %get3A_183 = vector.shape_cast %get3A_182 : vector<1x1x32x128xf32> to vector<32x128xf32>
    %transpose3A_184 = tpu.transpose %get3A_183, [1, 0] : vector<32x128xf32> -> vector<128x32xf32>
    %get3A_185 = arith.constant 0 : index
    %get3A_186 = arith.constant 22 : index
    %get3A_187 = arith.constant 0 : index
    %get3A_188 = arith.constant 0 : index
    %get3A_189 = vector.load %arg2[%get3A_185, %get3A_186, %get3A_187, %get3A_188] : memref<1x128x32x128xf32, #tpu.memory_space<vmem>>, vector<1x1x32x128xf32>
    %get3A_190 = vector.shape_cast %get3A_189 : vector<1x1x32x128xf32> to vector<32x128xf32>
    %transpose3A_191 = tpu.transpose %get3A_190, [1, 0] : vector<32x128xf32> -> vector<128x32xf32>
    %get3A_192 = arith.constant 0 : index
    %get3A_193 = arith.constant 23 : index
    %get3A_194 = arith.constant 0 : index
    %get3A_195 = arith.constant 0 : index
    %get3A_196 = vector.load %arg2[%get3A_192, %get3A_193, %get3A_194, %get3A_195] : memref<1x128x32x128xf32, #tpu.memory_space<vmem>>, vector<1x1x32x128xf32>
    %get3A_197 = vector.shape_cast %get3A_196 : vector<1x1x32x128xf32> to vector<32x128xf32>
    %transpose3A_198 = tpu.transpose %get3A_197, [1, 0] : vector<32x128xf32> -> vector<128x32xf32>
    %concatenate3A_199 = tpu.concatenate %transpose3A_177, %transpose3A_184, %transpose3A_191, %transpose3A_198 in 1 : vector<128x32xf32>, vector<128x32xf32>, vector<128x32xf32>, vector<128x32xf32> -> vector<128x128xf32>
    %swap3A_200 = arith.constant 5 : index
    %swap3A_201 = arith.constant 0 : index
    %swap3A_202 = arith.constant 0 : index
    %swap3A_203 = vector.load %arg3[%swap3A_200, %swap3A_201, %swap3A_202] : memref<32x128x128xf32, #tpu.memory_space<vmem>>, vector<1x128x128xf32>
    %swap3A_204 = vector.shape_cast %swap3A_203 : vector<1x128x128xf32> to vector<128x128xf32>
    %swap3A_205 = vector.shape_cast %concatenate3A_199 : vector<128x128xf32> to vector<1x128x128xf32>
    tpu.vector_store %arg3[%swap3A_200, %swap3A_201, %swap3A_202], %swap3A_205 {strides = array<i32>} : memref<32x128x128xf32, #tpu.memory_space<vmem>>, vector<1x128x128xf32>,
    %get3A_206 = arith.constant 0 : index
    %get3A_207 = arith.constant 24 : index
    %get3A_208 = arith.constant 0 : index
    %get3A_209 = arith.constant 0 : index
    %get3A_210 = vector.load %arg2[%get3A_206, %get3A_207, %get3A_208, %get3A_209] : memref<1x128x32x128xf32, #tpu.memory_space<vmem>>, vector<1x1x32x128xf32>
    %get3A_211 = vector.shape_cast %get3A_210 : vector<1x1x32x128xf32> to vector<32x128xf32>
    %transpose3A_212 = tpu.transpose %get3A_211, [1, 0] : vector<32x128xf32> -> vector<128x32xf32>
    %get3A_213 = arith.constant 0 : index
    %get3A_214 = arith.constant 25 : index
    %get3A_215 = arith.constant 0 : index
    %get3A_216 = arith.constant 0 : index
    %get3A_217 = vector.load %arg2[%get3A_213, %get3A_214, %get3A_215, %get3A_216] : memref<1x128x32x128xf32, #tpu.memory_space<vmem>>, vector<1x1x32x128xf32>
    %get3A_218 = vector.shape_cast %get3A_217 : vector<1x1x32x128xf32> to vector<32x128xf32>
    %transpose3A_219 = tpu.transpose %get3A_218, [1, 0] : vector<32x128xf32> -> vector<128x32xf32>
    %get3A_220 = arith.constant 0 : index
    %get3A_221 = arith.constant 26 : index
    %get3A_222 = arith.constant 0 : index
    %get3A_223 = arith.constant 0 : index
    %get3A_224 = vector.load %arg2[%get3A_220, %get3A_221, %get3A_222, %get3A_223] : memref<1x128x32x128xf32, #tpu.memory_space<vmem>>, vector<1x1x32x128xf32>
    %get3A_225 = vector.shape_cast %get3A_224 : vector<1x1x32x128xf32> to vector<32x128xf32>
    %transpose3A_226 = tpu.transpose %get3A_225, [1, 0] : vector<32x128xf32> -> vector<128x32xf32>
    %get3A_227 = arith.constant 0 : index
    %get3A_228 = arith.constant 27 : index
    %get3A_229 = arith.constant 0 : index
    %get3A_230 = arith.constant 0 : index
    %get3A_231 = vector.load %arg2[%get3A_227, %get3A_228, %get3A_229, %get3A_230] : memref<1x128x32x128xf32, #tpu.memory_space<vmem>>, vector<1x1x32x128xf32>
    %get3A_232 = vector.shape_cast %get3A_231 : vector<1x1x32x128xf32> to vector<32x128xf32>
    %transpose3A_233 = tpu.transpose %get3A_232, [1, 0] : vector<32x128xf32> -> vector<128x32xf32>
    %concatenate3A_234 = tpu.concatenate %transpose3A_212, %transpose3A_219, %transpose3A_226, %transpose3A_233 in 1 : vector<128x32xf32>, vector<128x32xf32>, vector<128x32xf32>, vector<128x32xf32> -> vector<128x128xf32>
    %swap3A_235 = arith.constant 6 : index
    %swap3A_236 = arith.constant 0 : index
    %swap3A_237 = arith.constant 0 : index
    %swap3A_238 = vector.load %arg3[%swap3A_235, %swap3A_236, %swap3A_237] : memref<32x128x128xf32, #tpu.memory_space<vmem>>, vector<1x128x128xf32>
    %swap3A_239 = vector.shape_cast %swap3A_238 : vector<1x128x128xf32> to vector<128x128xf32>
    %swap3A_240 = vector.shape_cast %concatenate3A_234 : vector<128x128xf32> to vector<1x128x128xf32>
    tpu.vector_store %arg3[%swap3A_235, %swap3A_236, %swap3A_237], %swap3A_240 {strides = array<i32>} : memref<32x128x128xf32, #tpu.memory_space<vmem>>, vector<1x128x128xf32>,
    %get3A_241 = arith.constant 0 : index
    %get3A_242 = arith.constant 28 : index
    %get3A_243 = arith.constant 0 : index
    %get3A_244 = arith.constant 0 : index
    %get3A_245 = vector.load %arg2[%get3A_241, %get3A_242, %get3A_243, %get3A_244] : memref<1x128x32x128xf32, #tpu.memory_space<vmem>>, vector<1x1x32x128xf32>
    %get3A_246 = vector.shape_cast %get3A_245 : vector<1x1x32x128xf32> to vector<32x128xf32>
    %transpose3A_247 = tpu.transpose %get3A_246, [1, 0] : vector<32x128xf32> -> vector<128x32xf32>
    %get3A_248 = arith.constant 0 : index
    %get3A_249 = arith.constant 29 : index
    %get3A_250 = arith.constant 0 : index
    %get3A_251 = arith.constant 0 : index
    %get3A_252 = vector.load %arg2[%get3A_248, %get3A_249, %get3A_250, %get3A_251] : memref<1x128x32x128xf32, #tpu.memory_space<vmem>>, vector<1x1x32x128xf32>
    %get3A_253 = vector.shape_cast %get3A_252 : vector<1x1x32x128xf32> to vector<32x128xf32>
    %transpose3A_254 = tpu.transpose %get3A_253, [1, 0] : vector<32x128xf32> -> vector<128x32xf32>
    %get3A_255 = arith.constant 0 : index
    %get3A_256 = arith.constant 30 : index
    %get3A_257 = arith.constant 0 : index
    %get3A_258 = arith.constant 0 : index
    %get3A_259 = vector.load %arg2[%get3A_255, %get3A_256, %get3A_257, %get3A_258] : memref<1x128x32x128xf32, #tpu.memory_space<vmem>>, vector<1x1x32x128xf32>
    %get3A_260 = vector.shape_cast %get3A_259 : vector<1x1x32x128xf32> to vector<32x128xf32>
    %transpose3A_261 = tpu.transpose %get3A_260, [1, 0] : vector<32x128xf32> -> vector<128x32xf32>
    %get3A_262 = arith.constant 0 : index
    %get3A_263 = arith.constant 31 : index
    %get3A_264 = arith.constant 0 : index
    %get3A_265 = arith.constant 0 : index
    %get3A_266 = vector.load %arg2[%get3A_262, %get3A_263, %get3A_264, %get3A_265] : memref<1x128x32x128xf32, #tpu.memory_space<vmem>>, vector<1x1x32x128xf32>
    %get3A_267 = vector.shape_cast %get3A_266 : vector<1x1x32x128xf32> to vector<32x128xf32>
    %transpose3A_268 = tpu.transpose %get3A_267, [1, 0] : vector<32x128xf32> -> vector<128x32xf32>
    %concatenate3A_269 = tpu.concatenate %transpose3A_247, %transpose3A_254, %transpose3A_261, %transpose3A_268 in 1 : vector<128x32xf32>, vector<128x32xf32>, vector<128x32xf32>, vector<128x32xf32> -> vector<128x128xf32>
    %swap3A_270 = arith.constant 7 : index
    %swap3A_271 = arith.constant 0 : index
    %swap3A_272 = arith.constant 0 : index
    %swap3A_273 = vector.load %arg3[%swap3A_270, %swap3A_271, %swap3A_272] : memref<32x128x128xf32, #tpu.memory_space<vmem>>, vector<1x128x128xf32>
    %swap3A_274 = vector.shape_cast %swap3A_273 : vector<1x128x128xf32> to vector<128x128xf32>
    %swap3A_275 = vector.shape_cast %concatenate3A_269 : vector<128x128xf32> to vector<1x128x128xf32>
    tpu.vector_store %arg3[%swap3A_270, %swap3A_271, %swap3A_272], %swap3A_275 {strides = array<i32>} : memref<32x128x128xf32, #tpu.memory_space<vmem>>, vector<1x128x128xf32>,
    %get3A_276 = arith.constant 0 : index
    %get3A_277 = arith.constant 32 : index
    %get3A_278 = arith.constant 0 : index
    %get3A_279 = arith.constant 0 : index
    %get3A_280 = vector.load %arg2[%get3A_276, %get3A_277, %get3A_278, %get3A_279] : memref<1x128x32x128xf32, #tpu.memory_space<vmem>>, vector<1x1x32x128xf32>
    %get3A_281 = vector.shape_cast %get3A_280 : vector<1x1x32x128xf32> to vector<32x128xf32>
    %transpose3A_282 = tpu.transpose %get3A_281, [1, 0] : vector<32x128xf32> -> vector<128x32xf32>
    %get3A_283 = arith.constant 0 : index
    %get3A_284 = arith.constant 33 : index
    %get3A_285 = arith.constant 0 : index
    %get3A_286 = arith.constant 0 : index
    %get3A_287 = vector.load %arg2[%get3A_283, %get3A_284, %get3A_285, %get3A_286] : memref<1x128x32x128xf32, #tpu.memory_space<vmem>>, vector<1x1x32x128xf32>
    %get3A_288 = vector.shape_cast %get3A_287 : vector<1x1x32x128xf32> to vector<32x128xf32>
    %transpose3A_289 = tpu.transpose %get3A_288, [1, 0] : vector<32x128xf32> -> vector<128x32xf32>
    %get3A_290 = arith.constant 0 : index
    %get3A_291 = arith.constant 34 : index
    %get3A_292 = arith.constant 0 : index
    %get3A_293 = arith.constant 0 : index
    %get3A_294 = vector.load %arg2[%get3A_290, %get3A_291, %get3A_292, %get3A_293] : memref<1x128x32x128xf32, #tpu.memory_space<vmem>>, vector<1x1x32x128xf32>
    %get3A_295 = vector.shape_cast %get3A_294 : vector<1x1x32x128xf32> to vector<32x128xf32>
    %transpose3A_296 = tpu.transpose %get3A_295, [1, 0] : vector<32x128xf32> -> vector<128x32xf32>
    %get3A_297 = arith.constant 0 : index
    %get3A_298 = arith.constant 35 : index
    %get3A_299 = arith.constant 0 : index
    %get3A_300 = arith.constant 0 : index
    %get3A_301 = vector.load %arg2[%get3A_297, %get3A_298, %get3A_299, %get3A_300] : memref<1x128x32x128xf32, #tpu.memory_space<vmem>>, vector<1x1x32x128xf32>
    %get3A_302 = vector.shape_cast %get3A_301 : vector<1x1x32x128xf32> to vector<32x128xf32>
    %transpose3A_303 = tpu.transpose %get3A_302, [1, 0] : vector<32x128xf32> -> vector<128x32xf32>
    %concatenate3A_304 = tpu.concatenate %transpose3A_282, %transpose3A_289, %transpose3A_296, %transpose3A_303 in 1 : vector<128x32xf32>, vector<128x32xf32>, vector<128x32xf32>, vector<128x32xf32> -> vector<128x128xf32>
    %swap3A_305 = arith.constant 8 : index
    %swap3A_306 = arith.constant 0 : index
    %swap3A_307 = arith.constant 0 : index
    %swap3A_308 = vector.load %arg3[%swap3A_305, %swap3A_306, %swap3A_307] : memref<32x128x128xf32, #tpu.memory_space<vmem>>, vector<1x128x128xf32>
    %swap3A_309 = vector.shape_cast %swap3A_308 : vector<1x128x128xf32> to vector<128x128xf32>
    %swap3A_310 = vector.shape_cast %concatenate3A_304 : vector<128x128xf32> to vector<1x128x128xf32>
    tpu.vector_store %arg3[%swap3A_305, %swap3A_306, %swap3A_307], %swap3A_310 {strides = array<i32>} : memref<32x128x128xf32, #tpu.memory_space<vmem>>, vector<1x128x128xf32>,
    %get3A_311 = arith.constant 0 : index
    %get3A_312 = arith.constant 36 : index
    %get3A_313 = arith.constant 0 : index
    %get3A_314 = arith.constant 0 : index
    %get3A_315 = vector.load %arg2[%get3A_311, %get3A_312, %get3A_313, %get3A_314] : memref<1x128x32x128xf32, #tpu.memory_space<vmem>>, vector<1x1x32x128xf32>
    %get3A_316 = vector.shape_cast %get3A_315 : vector<1x1x32x128xf32> to vector<32x128xf32>
    %transpose3A_317 = tpu.transpose %get3A_316, [1, 0] : vector<32x128xf32> -> vector<128x32xf32>
    %get3A_318 = arith.constant 0 : index
    %get3A_319 = arith.constant 37 : index
    %get3A_320 = arith.constant 0 : index
    %get3A_321 = arith.constant 0 : index
    %get3A_322 = vector.load %arg2[%get3A_318, %get3A_319, %get3A_320, %get3A_321] : memref<1x128x32x128xf32, #tpu.memory_space<vmem>>, vector<1x1x32x128xf32>
    %get3A_323 = vector.shape_cast %get3A_322 : vector<1x1x32x128xf32> to vector<32x128xf32>
    %transpose3A_324 = tpu.transpose %get3A_323, [1, 0] : vector<32x128xf32> -> vector<128x32xf32>
    %get3A_325 = arith.constant 0 : index
    %get3A_326 = arith.constant 38 : index
    %get3A_327 = arith.constant 0 : index
    %get3A_328 = arith.constant 0 : index
    %get3A_329 = vector.load %arg2[%get3A_325, %get3A_326, %get3A_327, %get3A_328] : memref<1x128x32x128xf32, #tpu.memory_space<vmem>>, vector<1x1x32x128xf32>
    %get3A_330 = vector.shape_cast %get3A_329 : vector<1x1x32x128xf32> to vector<32x128xf32>
    %transpose3A_331 = tpu.transpose %get3A_330, [1, 0] : vector<32x128xf32> -> vector<128x32xf32>
    %get3A_332 = arith.constant 0 : index
    %get3A_333 = arith.constant 39 : index
    %get3A_334 = arith.constant 0 : index
    %get3A_335 = arith.constant 0 : index
    %get3A_336 = vector.load %arg2[%get3A_332, %get3A_333, %get3A_334, %get3A_335] : memref<1x128x32x128xf32, #tpu.memory_space<vmem>>, vector<1x1x32x128xf32>
    %get3A_337 = vector.shape_cast %get3A_336 : vector<1x1x32x128xf32> to vector<32x128xf32>
    %transpose3A_338 = tpu.transpose %get3A_337, [1, 0] : vector<32x128xf32> -> vector<128x32xf32>
    %concatenate3A_339 = tpu.concatenate %transpose3A_317, %transpose3A_324, %transpose3A_331, %transpose3A_338 in 1 : vector<128x32xf32>, vector<128x32xf32>, vector<128x32xf32>, vector<128x32xf32> -> vector<128x128xf32>
    %swap3A_340 = arith.constant 9 : index
    %swap3A_341 = arith.constant 0 : index
    %swap3A_342 = arith.constant 0 : index
    %swap3A_343 = vector.load %arg3[%swap3A_340, %swap3A_341, %swap3A_342] : memref<32x128x128xf32, #tpu.memory_space<vmem>>, vector<1x128x128xf32>
    %swap3A_344 = vector.shape_cast %swap3A_343 : vector<1x128x128xf32> to vector<128x128xf32>
    %swap3A_345 = vector.shape_cast %concatenate3A_339 : vector<128x128xf32> to vector<1x128x128xf32>
    tpu.vector_store %arg3[%swap3A_340, %swap3A_341, %swap3A_342], %swap3A_345 {strides = array<i32>} : memref<32x128x128xf32, #tpu.memory_space<vmem>>, vector<1x128x128xf32>,
    %get3A_346 = arith.constant 0 : index
    %get3A_347 = arith.constant 40 : index
    %get3A_348 = arith.constant 0 : index
    %get3A_349 = arith.constant 0 : index
    %get3A_350 = vector.load %arg2[%get3A_346, %get3A_347, %get3A_348, %get3A_349] : memref<1x128x32x128xf32, #tpu.memory_space<vmem>>, vector<1x1x32x128xf32>
    %get3A_351 = vector.shape_cast %get3A_350 : vector<1x1x32x128xf32> to vector<32x128xf32>
    %transpose3A_352 = tpu.transpose %get3A_351, [1, 0] : vector<32x128xf32> -> vector<128x32xf32>
    %get3A_353 = arith.constant 0 : index
    %get3A_354 = arith.constant 41 : index
    %get3A_355 = arith.constant 0 : index
    %get3A_356 = arith.constant 0 : index
    %get3A_357 = vector.load %arg2[%get3A_353, %get3A_354, %get3A_355, %get3A_356] : memref<1x128x32x128xf32, #tpu.memory_space<vmem>>, vector<1x1x32x128xf32>
    %get3A_358 = vector.shape_cast %get3A_357 : vector<1x1x32x128xf32> to vector<32x128xf32>
    %transpose3A_359 = tpu.transpose %get3A_358, [1, 0] : vector<32x128xf32> -> vector<128x32xf32>
    %get3A_360 = arith.constant 0 : index
    %get3A_361 = arith.constant 42 : index
    %get3A_362 = arith.constant 0 : index
    %get3A_363 = arith.constant 0 : index
    %get3A_364 = vector.load %arg2[%get3A_360, %get3A_361, %get3A_362, %get3A_363] : memref<1x128x32x128xf32, #tpu.memory_space<vmem>>, vector<1x1x32x128xf32>
    %get3A_365 = vector.shape_cast %get3A_364 : vector<1x1x32x128xf32> to vector<32x128xf32>
    %transpose3A_366 = tpu.transpose %get3A_365, [1, 0] : vector<32x128xf32> -> vector<128x32xf32>
    %get3A_367 = arith.constant 0 : index
    %get3A_368 = arith.constant 43 : index
    %get3A_369 = arith.constant 0 : index
    %get3A_370 = arith.constant 0 : index
    %get3A_371 = vector.load %arg2[%get3A_367, %get3A_368, %get3A_369, %get3A_370] : memref<1x128x32x128xf32, #tpu.memory_space<vmem>>, vector<1x1x32x128xf32>
    %get3A_372 = vector.shape_cast %get3A_371 : vector<1x1x32x128xf32> to vector<32x128xf32>
    %transpose3A_373 = tpu.transpose %get3A_372, [1, 0] : vector<32x128xf32> -> vector<128x32xf32>
    %concatenate3A_374 = tpu.concatenate %transpose3A_352, %transpose3A_359, %transpose3A_366, %transpose3A_373 in 1 : vector<128x32xf32>, vector<128x32xf32>, vector<128x32xf32>, vector<128x32xf32> -> vector<128x128xf32>
    %swap3A_375 = arith.constant 10 : index
    %swap3A_376 = arith.constant 0 : index
    %swap3A_377 = arith.constant 0 : index
    %swap3A_378 = vector.load %arg3[%swap3A_375, %swap3A_376, %swap3A_377] : memref<32x128x128xf32, #tpu.memory_space<vmem>>, vector<1x128x128xf32>
    %swap3A_379 = vector.shape_cast %swap3A_378 : vector<1x128x128xf32> to vector<128x128xf32>
    %swap3A_380 = vector.shape_cast %concatenate3A_374 : vector<128x128xf32> to vector<1x128x128xf32>
    tpu.vector_store %arg3[%swap3A_375, %swap3A_376, %swap3A_377], %swap3A_380 {strides = array<i32>} : memref<32x128x128xf32, #tpu.memory_space<vmem>>, vector<1x128x128xf32>,
    %get3A_381 = arith.constant 0 : index
    %get3A_382 = arith.constant 44 : index
    %get3A_383 = arith.constant 0 : index
    %get3A_384 = arith.constant 0 : index
    %get3A_385 = vector.load %arg2[%get3A_381, %get3A_382, %get3A_383, %get3A_384] : memref<1x128x32x128xf32, #tpu.memory_space<vmem>>, vector<1x1x32x128xf32>
    %get3A_386 = vector.shape_cast %get3A_385 : vector<1x1x32x128xf32> to vector<32x128xf32>
    %transpose3A_387 = tpu.transpose %get3A_386, [1, 0] : vector<32x128xf32> -> vector<128x32xf32>
    %get3A_388 = arith.constant 0 : index
    %get3A_389 = arith.constant 45 : index
    %get3A_390 = arith.constant 0 : index
    %get3A_391 = arith.constant 0 : index
    %get3A_392 = vector.load %arg2[%get3A_388, %get3A_389, %get3A_390, %get3A_391] : memref<1x128x32x128xf32, #tpu.memory_space<vmem>>, vector<1x1x32x128xf32>
    %get3A_393 = vector.shape_cast %get3A_392 : vector<1x1x32x128xf32> to vector<32x128xf32>
    %transpose3A_394 = tpu.transpose %get3A_393, [1, 0] : vector<32x128xf32> -> vector<128x32xf32>
    %get3A_395 = arith.constant 0 : index
    %get3A_396 = arith.constant 46 : index
    %get3A_397 = arith.constant 0 : index
    %get3A_398 = arith.constant 0 : index
    %get3A_399 = vector.load %arg2[%get3A_395, %get3A_396, %get3A_397, %get3A_398] : memref<1x128x32x128xf32, #tpu.memory_space<vmem>>, vector<1x1x32x128xf32>
    %get3A_400 = vector.shape_cast %get3A_399 : vector<1x1x32x128xf32> to vector<32x128xf32>
    %transpose3A_401 = tpu.transpose %get3A_400, [1, 0] : vector<32x128xf32> -> vector<128x32xf32>
    %get3A_402 = arith.constant 0 : index
    %get3A_403 = arith.constant 47 : index
    %get3A_404 = arith.constant 0 : index
    %get3A_405 = arith.constant 0 : index
    %get3A_406 = vector.load %arg2[%get3A_402, %get3A_403, %get3A_404, %get3A_405] : memref<1x128x32x128xf32, #tpu.memory_space<vmem>>, vector<1x1x32x128xf32>
    %get3A_407 = vector.shape_cast %get3A_406 : vector<1x1x32x128xf32> to vector<32x128xf32>
    %transpose3A_408 = tpu.transpose %get3A_407, [1, 0] : vector<32x128xf32> -> vector<128x32xf32>
    %concatenate3A_409 = tpu.concatenate %transpose3A_387, %transpose3A_394, %transpose3A_401, %transpose3A_408 in 1 : vector<128x32xf32>, vector<128x32xf32>, vector<128x32xf32>, vector<128x32xf32> -> vector<128x128xf32>
    %swap3A_410 = arith.constant 11 : index
    %swap3A_411 = arith.constant 0 : index
    %swap3A_412 = arith.constant 0 : index
    %swap3A_413 = vector.load %arg3[%swap3A_410, %swap3A_411, %swap3A_412] : memref<32x128x128xf32, #tpu.memory_space<vmem>>, vector<1x128x128xf32>
    %swap3A_414 = vector.shape_cast %swap3A_413 : vector<1x128x128xf32> to vector<128x128xf32>
    %swap3A_415 = vector.shape_cast %concatenate3A_409 : vector<128x128xf32> to vector<1x128x128xf32>
    tpu.vector_store %arg3[%swap3A_410, %swap3A_411, %swap3A_412], %swap3A_415 {strides = array<i32>} : memref<32x128x128xf32, #tpu.memory_space<vmem>>, vector<1x128x128xf32>,
    %get3A_416 = arith.constant 0 : index
    %get3A_417 = arith.constant 48 : index
    %get3A_418 = arith.constant 0 : index
    %get3A_419 = arith.constant 0 : index
    %get3A_420 = vector.load %arg2[%get3A_416, %get3A_417, %get3A_418, %get3A_419] : memref<1x128x32x128xf32, #tpu.memory_space<vmem>>, vector<1x1x32x128xf32>
    %get3A_421 = vector.shape_cast %get3A_420 : vector<1x1x32x128xf32> to vector<32x128xf32>
    %transpose3A_422 = tpu.transpose %get3A_421, [1, 0] : vector<32x128xf32> -> vector<128x32xf32>
    %get3A_423 = arith.constant 0 : index
    %get3A_424 = arith.constant 49 : index
    %get3A_425 = arith.constant 0 : index
    %get3A_426 = arith.constant 0 : index
    %get3A_427 = vector.load %arg2[%get3A_423, %get3A_424, %get3A_425, %get3A_426] : memref<1x128x32x128xf32, #tpu.memory_space<vmem>>, vector<1x1x32x128xf32>
    %get3A_428 = vector.shape_cast %get3A_427 : vector<1x1x32x128xf32> to vector<32x128xf32>
    %transpose3A_429 = tpu.transpose %get3A_428, [1, 0] : vector<32x128xf32> -> vector<128x32xf32>
    %get3A_430 = arith.constant 0 : index
    %get3A_431 = arith.constant 50 : index
    %get3A_432 = arith.constant 0 : index
    %get3A_433 = arith.constant 0 : index
    %get3A_434 = vector.load %arg2[%get3A_430, %get3A_431, %get3A_432, %get3A_433] : memref<1x128x32x128xf32, #tpu.memory_space<vmem>>, vector<1x1x32x128xf32>
    %get3A_435 = vector.shape_cast %get3A_434 : vector<1x1x32x128xf32> to vector<32x128xf32>
    %transpose3A_436 = tpu.transpose %get3A_435, [1, 0] : vector<32x128xf32> -> vector<128x32xf32>
    %get3A_437 = arith.constant 0 : index
    %get3A_438 = arith.constant 51 : index
    %get3A_439 = arith.constant 0 : index
    %get3A_440 = arith.constant 0 : index
    %get3A_441 = vector.load %arg2[%get3A_437, %get3A_438, %get3A_439, %get3A_440] : memref<1x128x32x128xf32, #tpu.memory_space<vmem>>, vector<1x1x32x128xf32>
    %get3A_442 = vector.shape_cast %get3A_441 : vector<1x1x32x128xf32> to vector<32x128xf32>
    %transpose3A_443 = tpu.transpose %get3A_442, [1, 0] : vector<32x128xf32> -> vector<128x32xf32>
    %concatenate3A_444 = tpu.concatenate %transpose3A_422, %transpose3A_429, %transpose3A_436, %transpose3A_443 in 1 : vector<128x32xf32>, vector<128x32xf32>, vector<128x32xf32>, vector<128x32xf32> -> vector<128x128xf32>
    %swap3A_445 = arith.constant 12 : index
    %swap3A_446 = arith.constant 0 : index
    %swap3A_447 = arith.constant 0 : index
    %swap3A_448 = vector.load %arg3[%swap3A_445, %swap3A_446, %swap3A_447] : memref<32x128x128xf32, #tpu.memory_space<vmem>>, vector<1x128x128xf32>
    %swap3A_449 = vector.shape_cast %swap3A_448 : vector<1x128x128xf32> to vector<128x128xf32>
    %swap3A_450 = vector.shape_cast %concatenate3A_444 : vector<128x128xf32> to vector<1x128x128xf32>
    tpu.vector_store %arg3[%swap3A_445, %swap3A_446, %swap3A_447], %swap3A_450 {strides = array<i32>} : memref<32x128x128xf32, #tpu.memory_space<vmem>>, vector<1x128x128xf32>,
    %get3A_451 = arith.constant 0 : index
    %get3A_452 = arith.constant 52 : index
    %get3A_453 = arith.constant 0 : index
    %get3A_454 = arith.constant 0 : index
    %get3A_455 = vector.load %arg2[%get3A_451, %get3A_452, %get3A_453, %get3A_454] : memref<1x128x32x128xf32, #tpu.memory_space<vmem>>, vector<1x1x32x128xf32>
    %get3A_456 = vector.shape_cast %get3A_455 : vector<1x1x32x128xf32> to vector<32x128xf32>
    %transpose3A_457 = tpu.transpose %get3A_456, [1, 0] : vector<32x128xf32> -> vector<128x32xf32>
    %get3A_458 = arith.constant 0 : index
    %get3A_459 = arith.constant 53 : index
    %get3A_460 = arith.constant 0 : index
    %get3A_461 = arith.constant 0 : index
    %get3A_462 = vector.load %arg2[%get3A_458, %get3A_459, %get3A_460, %get3A_461] : memref<1x128x32x128xf32, #tpu.memory_space<vmem>>, vector<1x1x32x128xf32>
    %get3A_463 = vector.shape_cast %get3A_462 : vector<1x1x32x128xf32> to vector<32x128xf32>
    %transpose3A_464 = tpu.transpose %get3A_463, [1, 0] : vector<32x128xf32> -> vector<128x32xf32>
    %get3A_465 = arith.constant 0 : index
    %get3A_466 = arith.constant 54 : index
    %get3A_467 = arith.constant 0 : index
    %get3A_468 = arith.constant 0 : index
    %get3A_469 = vector.load %arg2[%get3A_465, %get3A_466, %get3A_467, %get3A_468] : memref<1x128x32x128xf32, #tpu.memory_space<vmem>>, vector<1x1x32x128xf32>
    %get3A_470 = vector.shape_cast %get3A_469 : vector<1x1x32x128xf32> to vector<32x128xf32>
    %transpose3A_471 = tpu.transpose %get3A_470, [1, 0] : vector<32x128xf32> -> vector<128x32xf32>
    %get3A_472 = arith.constant 0 : index
    %get3A_473 = arith.constant 55 : index
    %get3A_474 = arith.constant 0 : index
    %get3A_475 = arith.constant 0 : index
    %get3A_476 = vector.load %arg2[%get3A_472, %get3A_473, %get3A_474, %get3A_475] : memref<1x128x32x128xf32, #tpu.memory_space<vmem>>, vector<1x1x32x128xf32>
    %get3A_477 = vector.shape_cast %get3A_476 : vector<1x1x32x128xf32> to vector<32x128xf32>
    %transpose3A_478 = tpu.transpose %get3A_477, [1, 0] : vector<32x128xf32> -> vector<128x32xf32>
    %concatenate3A_479 = tpu.concatenate %transpose3A_457, %transpose3A_464, %transpose3A_471, %transpose3A_478 in 1 : vector<128x32xf32>, vector<128x32xf32>, vector<128x32xf32>, vector<128x32xf32> -> vector<128x128xf32>
    %swap3A_480 = arith.constant 13 : index
    %swap3A_481 = arith.constant 0 : index
    %swap3A_482 = arith.constant 0 : index
    %swap3A_483 = vector.load %arg3[%swap3A_480, %swap3A_481, %swap3A_482] : memref<32x128x128xf32, #tpu.memory_space<vmem>>, vector<1x128x128xf32>
    %swap3A_484 = vector.shape_cast %swap3A_483 : vector<1x128x128xf32> to vector<128x128xf32>
    %swap3A_485 = vector.shape_cast %concatenate3A_479 : vector<128x128xf32> to vector<1x128x128xf32>
    tpu.vector_store %arg3[%swap3A_480, %swap3A_481, %swap3A_482], %swap3A_485 {strides = array<i32>} : memref<32x128x128xf32, #tpu.memory_space<vmem>>, vector<1x128x128xf32>,
    %get3A_486 = arith.constant 0 : index
    %get3A_487 = arith.constant 56 : index
    %get3A_488 = arith.constant 0 : index
    %get3A_489 = arith.constant 0 : index
    %get3A_490 = vector.load %arg2[%get3A_486, %get3A_487, %get3A_488, %get3A_489] : memref<1x128x32x128xf32, #tpu.memory_space<vmem>>, vector<1x1x32x128xf32>
    %get3A_491 = vector.shape_cast %get3A_490 : vector<1x1x32x128xf32> to vector<32x128xf32>
    %transpose3A_492 = tpu.transpose %get3A_491, [1, 0] : vector<32x128xf32> -> vector<128x32xf32>
    %get3A_493 = arith.constant 0 : index
    %get3A_494 = arith.constant 57 : index
    %get3A_495 = arith.constant 0 : index
    %get3A_496 = arith.constant 0 : index
    %get3A_497 = vector.load %arg2[%get3A_493, %get3A_494, %get3A_495, %get3A_496] : memref<1x128x32x128xf32, #tpu.memory_space<vmem>>, vector<1x1x32x128xf32>
    %get3A_498 = vector.shape_cast %get3A_497 : vector<1x1x32x128xf32> to vector<32x128xf32>
    %transpose3A_499 = tpu.transpose %get3A_498, [1, 0] : vector<32x128xf32> -> vector<128x32xf32>
    %get3A_500 = arith.constant 0 : index
    %get3A_501 = arith.constant 58 : index
    %get3A_502 = arith.constant 0 : index
    %get3A_503 = arith.constant 0 : index
    %get3A_504 = vector.load %arg2[%get3A_500, %get3A_501, %get3A_502, %get3A_503] : memref<1x128x32x128xf32, #tpu.memory_space<vmem>>, vector<1x1x32x128xf32>
    %get3A_505 = vector.shape_cast %get3A_504 : vector<1x1x32x128xf32> to vector<32x128xf32>
    %transpose3A_506 = tpu.transpose %get3A_505, [1, 0] : vector<32x128xf32> -> vector<128x32xf32>
    %get3A_507 = arith.constant 0 : index
    %get3A_508 = arith.constant 59 : index
    %get3A_509 = arith.constant 0 : index
    %get3A_510 = arith.constant 0 : index
    %get3A_511 = vector.load %arg2[%get3A_507, %get3A_508, %get3A_509, %get3A_510] : memref<1x128x32x128xf32, #tpu.memory_space<vmem>>, vector<1x1x32x128xf32>
    %get3A_512 = vector.shape_cast %get3A_511 : vector<1x1x32x128xf32> to vector<32x128xf32>
    %transpose3A_513 = tpu.transpose %get3A_512, [1, 0] : vector<32x128xf32> -> vector<128x32xf32>
    %concatenate3A_514 = tpu.concatenate %transpose3A_492, %transpose3A_499, %transpose3A_506, %transpose3A_513 in 1 : vector<128x32xf32>, vector<128x32xf32>, vector<128x32xf32>, vector<128x32xf32> -> vector<128x128xf32>
    %swap3A_515 = arith.constant 14 : index
    %swap3A_516 = arith.constant 0 : index
    %swap3A_517 = arith.constant 0 : index
    %swap3A_518 = vector.load %arg3[%swap3A_515, %swap3A_516, %swap3A_517] : memref<32x128x128xf32, #tpu.memory_space<vmem>>, vector<1x128x128xf32>
    %swap3A_519 = vector.shape_cast %swap3A_518 : vector<1x128x128xf32> to vector<128x128xf32>
    %swap3A_520 = vector.shape_cast %concatenate3A_514 : vector<128x128xf32> to vector<1x128x128xf32>
    tpu.vector_store %arg3[%swap3A_515, %swap3A_516, %swap3A_517], %swap3A_520 {strides = array<i32>} : memref<32x128x128xf32, #tpu.memory_space<vmem>>, vector<1x128x128xf32>,
    %get3A_521 = arith.constant 0 : index
    %get3A_522 = arith.constant 60 : index
    %get3A_523 = arith.constant 0 : index
    %get3A_524 = arith.constant 0 : index
    %get3A_525 = vector.load %arg2[%get3A_521, %get3A_522, %get3A_523, %get3A_524] : memref<1x128x32x128xf32, #tpu.memory_space<vmem>>, vector<1x1x32x128xf32>
    %get3A_526 = vector.shape_cast %get3A_525 : vector<1x1x32x128xf32> to vector<32x128xf32>
    %transpose3A_527 = tpu.transpose %get3A_526, [1, 0] : vector<32x128xf32> -> vector<128x32xf32>
    %get3A_528 = arith.constant 0 : index
    %get3A_529 = arith.constant 61 : index
    %get3A_530 = arith.constant 0 : index
    %get3A_531 = arith.constant 0 : index
    %get3A_532 = vector.load %arg2[%get3A_528, %get3A_529, %get3A_530, %get3A_531] : memref<1x128x32x128xf32, #tpu.memory_space<vmem>>, vector<1x1x32x128xf32>
    %get3A_533 = vector.shape_cast %get3A_532 : vector<1x1x32x128xf32> to vector<32x128xf32>
    %transpose3A_534 = tpu.transpose %get3A_533, [1, 0] : vector<32x128xf32> -> vector<128x32xf32>
    %get3A_535 = arith.constant 0 : index
    %get3A_536 = arith.constant 62 : index
    %get3A_537 = arith.constant 0 : index
    %get3A_538 = arith.constant 0 : index
    %get3A_539 = vector.load %arg2[%get3A_535, %get3A_536, %get3A_537, %get3A_538] : memref<1x128x32x128xf32, #tpu.memory_space<vmem>>, vector<1x1x32x128xf32>
    %get3A_540 = vector.shape_cast %get3A_539 : vector<1x1x32x128xf32> to vector<32x128xf32>
    %transpose3A_541 = tpu.transpose %get3A_540, [1, 0] : vector<32x128xf32> -> vector<128x32xf32>
    %get3A_542 = arith.constant 0 : index
    %get3A_543 = arith.constant 63 : index
    %get3A_544 = arith.constant 0 : index
    %get3A_545 = arith.constant 0 : index
    %get3A_546 = vector.load %arg2[%get3A_542, %get3A_543, %get3A_544, %get3A_545] : memref<1x128x32x128xf32, #tpu.memory_space<vmem>>, vector<1x1x32x128xf32>
    %get3A_547 = vector.shape_cast %get3A_546 : vector<1x1x32x128xf32> to vector<32x128xf32>
    %transpose3A_548 = tpu.transpose %get3A_547, [1, 0] : vector<32x128xf32> -> vector<128x32xf32>
    %concatenate3A_549 = tpu.concatenate %transpose3A_527, %transpose3A_534, %transpose3A_541, %transpose3A_548 in 1 : vector<128x32xf32>, vector<128x32xf32>, vector<128x32xf32>, vector<128x32xf32> -> vector<128x128xf32>
    %swap3A_550 = arith.constant 15 : index
    %swap3A_551 = arith.constant 0 : index
    %swap3A_552 = arith.constant 0 : index
    %swap3A_553 = vector.load %arg3[%swap3A_550, %swap3A_551, %swap3A_552] : memref<32x128x128xf32, #tpu.memory_space<vmem>>, vector<1x128x128xf32>
    %swap3A_554 = vector.shape_cast %swap3A_553 : vector<1x128x128xf32> to vector<128x128xf32>
    %swap3A_555 = vector.shape_cast %concatenate3A_549 : vector<128x128xf32> to vector<1x128x128xf32>
    tpu.vector_store %arg3[%swap3A_550, %swap3A_551, %swap3A_552], %swap3A_555 {strides = array<i32>} : memref<32x128x128xf32, #tpu.memory_space<vmem>>, vector<1x128x128xf32>,
    %get3A_556 = arith.constant 0 : index
    %get3A_557 = arith.constant 64 : index
    %get3A_558 = arith.constant 0 : index
    %get3A_559 = arith.constant 0 : index
    %get3A_560 = vector.load %arg2[%get3A_556, %get3A_557, %get3A_558, %get3A_559] : memref<1x128x32x128xf32, #tpu.memory_space<vmem>>, vector<1x1x32x128xf32>
    %get3A_561 = vector.shape_cast %get3A_560 : vector<1x1x32x128xf32> to vector<32x128xf32>
    %transpose3A_562 = tpu.transpose %get3A_561, [1, 0] : vector<32x128xf32> -> vector<128x32xf32>
    %get3A_563 = arith.constant 0 : index
    %get3A_564 = arith.constant 65 : index
    %get3A_565 = arith.constant 0 : index
    %get3A_566 = arith.constant 0 : index
    %get3A_567 = vector.load %arg2[%get3A_563, %get3A_564, %get3A_565, %get3A_566] : memref<1x128x32x128xf32, #tpu.memory_space<vmem>>, vector<1x1x32x128xf32>
    %get3A_568 = vector.shape_cast %get3A_567 : vector<1x1x32x128xf32> to vector<32x128xf32>
    %transpose3A_569 = tpu.transpose %get3A_568, [1, 0] : vector<32x128xf32> -> vector<128x32xf32>
    %get3A_570 = arith.constant 0 : index
    %get3A_571 = arith.constant 66 : index
    %get3A_572 = arith.constant 0 : index
    %get3A_573 = arith.constant 0 : index
    %get3A_574 = vector.load %arg2[%get3A_570, %get3A_571, %get3A_572, %get3A_573] : memref<1x128x32x128xf32, #tpu.memory_space<vmem>>, vector<1x1x32x128xf32>
    %get3A_575 = vector.shape_cast %get3A_574 : vector<1x1x32x128xf32> to vector<32x128xf32>
    %transpose3A_576 = tpu.transpose %get3A_575, [1, 0] : vector<32x128xf32> -> vector<128x32xf32>
    %get3A_577 = arith.constant 0 : index
    %get3A_578 = arith.constant 67 : index
    %get3A_579 = arith.constant 0 : index
    %get3A_580 = arith.constant 0 : index
    %get3A_581 = vector.load %arg2[%get3A_577, %get3A_578, %get3A_579, %get3A_580] : memref<1x128x32x128xf32, #tpu.memory_space<vmem>>, vector<1x1x32x128xf32>
    %get3A_582 = vector.shape_cast %get3A_581 : vector<1x1x32x128xf32> to vector<32x128xf32>
    %transpose3A_583 = tpu.transpose %get3A_582, [1, 0] : vector<32x128xf32> -> vector<128x32xf32>
    %concatenate3A_584 = tpu.concatenate %transpose3A_562, %transpose3A_569, %transpose3A_576, %transpose3A_583 in 1 : vector<128x32xf32>, vector<128x32xf32>, vector<128x32xf32>, vector<128x32xf32> -> vector<128x128xf32>
    %swap3A_585 = arith.constant 16 : index
    %swap3A_586 = arith.constant 0 : index
    %swap3A_587 = arith.constant 0 : index
    %swap3A_588 = vector.load %arg3[%swap3A_585, %swap3A_586, %swap3A_587] : memref<32x128x128xf32, #tpu.memory_space<vmem>>, vector<1x128x128xf32>
    %swap3A_589 = vector.shape_cast %swap3A_588 : vector<1x128x128xf32> to vector<128x128xf32>
    %swap3A_590 = vector.shape_cast %concatenate3A_584 : vector<128x128xf32> to vector<1x128x128xf32>
    tpu.vector_store %arg3[%swap3A_585, %swap3A_586, %swap3A_587], %swap3A_590 {strides = array<i32>} : memref<32x128x128xf32, #tpu.memory_space<vmem>>, vector<1x128x128xf32>,
    %get3A_591 = arith.constant 0 : index
    %get3A_592 = arith.constant 68 : index
    %get3A_593 = arith.constant 0 : index
    %get3A_594 = arith.constant 0 : index
    %get3A_595 = vector.load %arg2[%get3A_591, %get3A_592, %get3A_593, %get3A_594] : memref<1x128x32x128xf32, #tpu.memory_space<vmem>>, vector<1x1x32x128xf32>
    %get3A_596 = vector.shape_cast %get3A_595 : vector<1x1x32x128xf32> to vector<32x128xf32>
    %transpose3A_597 = tpu.transpose %get3A_596, [1, 0] : vector<32x128xf32> -> vector<128x32xf32>
    %get3A_598 = arith.constant 0 : index
    %get3A_599 = arith.constant 69 : index
    %get3A_600 = arith.constant 0 : index
    %get3A_601 = arith.constant 0 : index
    %get3A_602 = vector.load %arg2[%get3A_598, %get3A_599, %get3A_600, %get3A_601] : memref<1x128x32x128xf32, #tpu.memory_space<vmem>>, vector<1x1x32x128xf32>
    %get3A_603 = vector.shape_cast %get3A_602 : vector<1x1x32x128xf32> to vector<32x128xf32>
    %transpose3A_604 = tpu.transpose %get3A_603, [1, 0] : vector<32x128xf32> -> vector<128x32xf32>
    %get3A_605 = arith.constant 0 : index
    %get3A_606 = arith.constant 70 : index
    %get3A_607 = arith.constant 0 : index
    %get3A_608 = arith.constant 0 : index
    %get3A_609 = vector.load %arg2[%get3A_605, %get3A_606, %get3A_607, %get3A_608] : memref<1x128x32x128xf32, #tpu.memory_space<vmem>>, vector<1x1x32x128xf32>
    %get3A_610 = vector.shape_cast %get3A_609 : vector<1x1x32x128xf32> to vector<32x128xf32>
    %transpose3A_611 = tpu.transpose %get3A_610, [1, 0] : vector<32x128xf32> -> vector<128x32xf32>
    %get3A_612 = arith.constant 0 : index
    %get3A_613 = arith.constant 71 : index
    %get3A_614 = arith.constant 0 : index
    %get3A_615 = arith.constant 0 : index
    %get3A_616 = vector.load %arg2[%get3A_612, %get3A_613, %get3A_614, %get3A_615] : memref<1x128x32x128xf32, #tpu.memory_space<vmem>>, vector<1x1x32x128xf32>
    %get3A_617 = vector.shape_cast %get3A_616 : vector<1x1x32x128xf32> to vector<32x128xf32>
    %transpose3A_618 = tpu.transpose %get3A_617, [1, 0] : vector<32x128xf32> -> vector<128x32xf32>
    %concatenate3A_619 = tpu.concatenate %transpose3A_597, %transpose3A_604, %transpose3A_611, %transpose3A_618 in 1 : vector<128x32xf32>, vector<128x32xf32>, vector<128x32xf32>, vector<128x32xf32> -> vector<128x128xf32>
    %swap3A_620 = arith.constant 17 : index
    %swap3A_621 = arith.constant 0 : index
    %swap3A_622 = arith.constant 0 : index
    %swap3A_623 = vector.load %arg3[%swap3A_620, %swap3A_621, %swap3A_622] : memref<32x128x128xf32, #tpu.memory_space<vmem>>, vector<1x128x128xf32>
    %swap3A_624 = vector.shape_cast %swap3A_623 : vector<1x128x128xf32> to vector<128x128xf32>
    %swap3A_625 = vector.shape_cast %concatenate3A_619 : vector<128x128xf32> to vector<1x128x128xf32>
    tpu.vector_store %arg3[%swap3A_620, %swap3A_621, %swap3A_622], %swap3A_625 {strides = array<i32>} : memref<32x128x128xf32, #tpu.memory_space<vmem>>, vector<1x128x128xf32>,
    %get3A_626 = arith.constant 0 : index
    %get3A_627 = arith.constant 72 : index
    %get3A_628 = arith.constant 0 : index
    %get3A_629 = arith.constant 0 : index
    %get3A_630 = vector.load %arg2[%get3A_626, %get3A_627, %get3A_628, %get3A_629] : memref<1x128x32x128xf32, #tpu.memory_space<vmem>>, vector<1x1x32x128xf32>
    %get3A_631 = vector.shape_cast %get3A_630 : vector<1x1x32x128xf32> to vector<32x128xf32>
    %transpose3A_632 = tpu.transpose %get3A_631, [1, 0] : vector<32x128xf32> -> vector<128x32xf32>
    %get3A_633 = arith.constant 0 : index
    %get3A_634 = arith.constant 73 : index
    %get3A_635 = arith.constant 0 : index
    %get3A_636 = arith.constant 0 : index
    %get3A_637 = vector.load %arg2[%get3A_633, %get3A_634, %get3A_635, %get3A_636] : memref<1x128x32x128xf32, #tpu.memory_space<vmem>>, vector<1x1x32x128xf32>
    %get3A_638 = vector.shape_cast %get3A_637 : vector<1x1x32x128xf32> to vector<32x128xf32>
    %transpose3A_639 = tpu.transpose %get3A_638, [1, 0] : vector<32x128xf32> -> vector<128x32xf32>
    %get3A_640 = arith.constant 0 : index
    %get3A_641 = arith.constant 74 : index
    %get3A_642 = arith.constant 0 : index
    %get3A_643 = arith.constant 0 : index
    %get3A_644 = vector.load %arg2[%get3A_640, %get3A_641, %get3A_642, %get3A_643] : memref<1x128x32x128xf32, #tpu.memory_space<vmem>>, vector<1x1x32x128xf32>
    %get3A_645 = vector.shape_cast %get3A_644 : vector<1x1x32x128xf32> to vector<32x128xf32>
    %transpose3A_646 = tpu.transpose %get3A_645, [1, 0] : vector<32x128xf32> -> vector<128x32xf32>
    %get3A_647 = arith.constant 0 : index
    %get3A_648 = arith.constant 75 : index
    %get3A_649 = arith.constant 0 : index
    %get3A_650 = arith.constant 0 : index
    %get3A_651 = vector.load %arg2[%get3A_647, %get3A_648, %get3A_649, %get3A_650] : memref<1x128x32x128xf32, #tpu.memory_space<vmem>>, vector<1x1x32x128xf32>
    %get3A_652 = vector.shape_cast %get3A_651 : vector<1x1x32x128xf32> to vector<32x128xf32>
    %transpose3A_653 = tpu.transpose %get3A_652, [1, 0] : vector<32x128xf32> -> vector<128x32xf32>
    %concatenate3A_654 = tpu.concatenate %transpose3A_632, %transpose3A_639, %transpose3A_646, %transpose3A_653 in 1 : vector<128x32xf32>, vector<128x32xf32>, vector<128x32xf32>, vector<128x32xf32> -> vector<128x128xf32>
    %swap3A_655 = arith.constant 18 : index
    %swap3A_656 = arith.constant 0 : index
    %swap3A_657 = arith.constant 0 : index
    %swap3A_658 = vector.load %arg3[%swap3A_655, %swap3A_656, %swap3A_657] : memref<32x128x128xf32, #tpu.memory_space<vmem>>, vector<1x128x128xf32>
    %swap3A_659 = vector.shape_cast %swap3A_658 : vector<1x128x128xf32> to vector<128x128xf32>
    %swap3A_660 = vector.shape_cast %concatenate3A_654 : vector<128x128xf32> to vector<1x128x128xf32>
    tpu.vector_store %arg3[%swap3A_655, %swap3A_656, %swap3A_657], %swap3A_660 {strides = array<i32>} : memref<32x128x128xf32, #tpu.memory_space<vmem>>, vector<1x128x128xf32>,
    %get3A_661 = arith.constant 0 : index
    %get3A_662 = arith.constant 76 : index
    %get3A_663 = arith.constant 0 : index
    %get3A_664 = arith.constant 0 : index
    %get3A_665 = vector.load %arg2[%get3A_661, %get3A_662, %get3A_663, %get3A_664] : memref<1x128x32x128xf32, #tpu.memory_space<vmem>>, vector<1x1x32x128xf32>
    %get3A_666 = vector.shape_cast %get3A_665 : vector<1x1x32x128xf32> to vector<32x128xf32>
    %transpose3A_667 = tpu.transpose %get3A_666, [1, 0] : vector<32x128xf32> -> vector<128x32xf32>
    %get3A_668 = arith.constant 0 : index
    %get3A_669 = arith.constant 77 : index
    %get3A_670 = arith.constant 0 : index
    %get3A_671 = arith.constant 0 : index
    %get3A_672 = vector.load %arg2[%get3A_668, %get3A_669, %get3A_670, %get3A_671] : memref<1x128x32x128xf32, #tpu.memory_space<vmem>>, vector<1x1x32x128xf32>
    %get3A_673 = vector.shape_cast %get3A_672 : vector<1x1x32x128xf32> to vector<32x128xf32>
    %transpose3A_674 = tpu.transpose %get3A_673, [1, 0] : vector<32x128xf32> -> vector<128x32xf32>
    %get3A_675 = arith.constant 0 : index
    %get3A_676 = arith.constant 78 : index
    %get3A_677 = arith.constant 0 : index
    %get3A_678 = arith.constant 0 : index
    %get3A_679 = vector.load %arg2[%get3A_675, %get3A_676, %get3A_677, %get3A_678] : memref<1x128x32x128xf32, #tpu.memory_space<vmem>>, vector<1x1x32x128xf32>
    %get3A_680 = vector.shape_cast %get3A_679 : vector<1x1x32x128xf32> to vector<32x128xf32>
    %transpose3A_681 = tpu.transpose %get3A_680, [1, 0] : vector<32x128xf32> -> vector<128x32xf32>
    %get3A_682 = arith.constant 0 : index
    %get3A_683 = arith.constant 79 : index
    %get3A_684 = arith.constant 0 : index
    %get3A_685 = arith.constant 0 : index
    %get3A_686 = vector.load %arg2[%get3A_682, %get3A_683, %get3A_684, %get3A_685] : memref<1x128x32x128xf32, #tpu.memory_space<vmem>>, vector<1x1x32x128xf32>
    %get3A_687 = vector.shape_cast %get3A_686 : vector<1x1x32x128xf32> to vector<32x128xf32>
    %transpose3A_688 = tpu.transpose %get3A_687, [1, 0] : vector<32x128xf32> -> vector<128x32xf32>
    %concatenate3A_689 = tpu.concatenate %transpose3A_667, %transpose3A_674, %transpose3A_681, %transpose3A_688 in 1 : vector<128x32xf32>, vector<128x32xf32>, vector<128x32xf32>, vector<128x32xf32> -> vector<128x128xf32>
    %swap3A_690 = arith.constant 19 : index
    %swap3A_691 = arith.constant 0 : index
    %swap3A_692 = arith.constant 0 : index
    %swap3A_693 = vector.load %arg3[%swap3A_690, %swap3A_691, %swap3A_692] : memref<32x128x128xf32, #tpu.memory_space<vmem>>, vector<1x128x128xf32>
    %swap3A_694 = vector.shape_cast %swap3A_693 : vector<1x128x128xf32> to vector<128x128xf32>
    %swap3A_695 = vector.shape_cast %concatenate3A_689 : vector<128x128xf32> to vector<1x128x128xf32>
    tpu.vector_store %arg3[%swap3A_690, %swap3A_691, %swap3A_692], %swap3A_695 {strides = array<i32>} : memref<32x128x128xf32, #tpu.memory_space<vmem>>, vector<1x128x128xf32>,
    %get3A_696 = arith.constant 0 : index
    %get3A_697 = arith.constant 80 : index
    %get3A_698 = arith.constant 0 : index
    %get3A_699 = arith.constant 0 : index
    %get3A_700 = vector.load %arg2[%get3A_696, %get3A_697, %get3A_698, %get3A_699] : memref<1x128x32x128xf32, #tpu.memory_space<vmem>>, vector<1x1x32x128xf32>
    %get3A_701 = vector.shape_cast %get3A_700 : vector<1x1x32x128xf32> to vector<32x128xf32>
    %transpose3A_702 = tpu.transpose %get3A_701, [1, 0] : vector<32x128xf32> -> vector<128x32xf32>
    %get3A_703 = arith.constant 0 : index
    %get3A_704 = arith.constant 81 : index
    %get3A_705 = arith.constant 0 : index
    %get3A_706 = arith.constant 0 : index
    %get3A_707 = vector.load %arg2[%get3A_703, %get3A_704, %get3A_705, %get3A_706] : memref<1x128x32x128xf32, #tpu.memory_space<vmem>>, vector<1x1x32x128xf32>
    %get3A_708 = vector.shape_cast %get3A_707 : vector<1x1x32x128xf32> to vector<32x128xf32>
    %transpose3A_709 = tpu.transpose %get3A_708, [1, 0] : vector<32x128xf32> -> vector<128x32xf32>
    %get3A_710 = arith.constant 0 : index
    %get3A_711 = arith.constant 82 : index
    %get3A_712 = arith.constant 0 : index
    %get3A_713 = arith.constant 0 : index
    %get3A_714 = vector.load %arg2[%get3A_710, %get3A_711, %get3A_712, %get3A_713] : memref<1x128x32x128xf32, #tpu.memory_space<vmem>>, vector<1x1x32x128xf32>
    %get3A_715 = vector.shape_cast %get3A_714 : vector<1x1x32x128xf32> to vector<32x128xf32>
    %transpose3A_716 = tpu.transpose %get3A_715, [1, 0] : vector<32x128xf32> -> vector<128x32xf32>
    %get3A_717 = arith.constant 0 : index
    %get3A_718 = arith.constant 83 : index
    %get3A_719 = arith.constant 0 : index
    %get3A_720 = arith.constant 0 : index
    %get3A_721 = vector.load %arg2[%get3A_717, %get3A_718, %get3A_719, %get3A_720] : memref<1x128x32x128xf32, #tpu.memory_space<vmem>>, vector<1x1x32x128xf32>
    %get3A_722 = vector.shape_cast %get3A_721 : vector<1x1x32x128xf32> to vector<32x128xf32>
    %transpose3A_723 = tpu.transpose %get3A_722, [1, 0] : vector<32x128xf32> -> vector<128x32xf32>
    %concatenate3A_724 = tpu.concatenate %transpose3A_702, %transpose3A_709, %transpose3A_716, %transpose3A_723 in 1 : vector<128x32xf32>, vector<128x32xf32>, vector<128x32xf32>, vector<128x32xf32> -> vector<128x128xf32>
    %swap3A_725 = arith.constant 20 : index
    %swap3A_726 = arith.constant 0 : index
    %swap3A_727 = arith.constant 0 : index
    %swap3A_728 = vector.load %arg3[%swap3A_725, %swap3A_726, %swap3A_727] : memref<32x128x128xf32, #tpu.memory_space<vmem>>, vector<1x128x128xf32>
    %swap3A_729 = vector.shape_cast %swap3A_728 : vector<1x128x128xf32> to vector<128x128xf32>
    %swap3A_730 = vector.shape_cast %concatenate3A_724 : vector<128x128xf32> to vector<1x128x128xf32>
    tpu.vector_store %arg3[%swap3A_725, %swap3A_726, %swap3A_727], %swap3A_730 {strides = array<i32>} : memref<32x128x128xf32, #tpu.memory_space<vmem>>, vector<1x128x128xf32>,
    %get3A_731 = arith.constant 0 : index
    %get3A_732 = arith.constant 84 : index
    %get3A_733 = arith.constant 0 : index
    %get3A_734 = arith.constant 0 : index
    %get3A_735 = vector.load %arg2[%get3A_731, %get3A_732, %get3A_733, %get3A_734] : memref<1x128x32x128xf32, #tpu.memory_space<vmem>>, vector<1x1x32x128xf32>
    %get3A_736 = vector.shape_cast %get3A_735 : vector<1x1x32x128xf32> to vector<32x128xf32>
    %transpose3A_737 = tpu.transpose %get3A_736, [1, 0] : vector<32x128xf32> -> vector<128x32xf32>
    %get3A_738 = arith.constant 0 : index
    %get3A_739 = arith.constant 85 : index
    %get3A_740 = arith.constant 0 : index
    %get3A_741 = arith.constant 0 : index
    %get3A_742 = vector.load %arg2[%get3A_738, %get3A_739, %get3A_740, %get3A_741] : memref<1x128x32x128xf32, #tpu.memory_space<vmem>>, vector<1x1x32x128xf32>
    %get3A_743 = vector.shape_cast %get3A_742 : vector<1x1x32x128xf32> to vector<32x128xf32>
    %transpose3A_744 = tpu.transpose %get3A_743, [1, 0] : vector<32x128xf32> -> vector<128x32xf32>
    %get3A_745 = arith.constant 0 : index
    %get3A_746 = arith.constant 86 : index
    %get3A_747 = arith.constant 0 : index
    %get3A_748 = arith.constant 0 : index
    %get3A_749 = vector.load %arg2[%get3A_745, %get3A_746, %get3A_747, %get3A_748] : memref<1x128x32x128xf32, #tpu.memory_space<vmem>>, vector<1x1x32x128xf32>
    %get3A_750 = vector.shape_cast %get3A_749 : vector<1x1x32x128xf32> to vector<32x128xf32>
    %transpose3A_751 = tpu.transpose %get3A_750, [1, 0] : vector<32x128xf32> -> vector<128x32xf32>
    %get3A_752 = arith.constant 0 : index
    %get3A_753 = arith.constant 87 : index
    %get3A_754 = arith.constant 0 : index
    %get3A_755 = arith.constant 0 : index
    %get3A_756 = vector.load %arg2[%get3A_752, %get3A_753, %get3A_754, %get3A_755] : memref<1x128x32x128xf32, #tpu.memory_space<vmem>>, vector<1x1x32x128xf32>
    %get3A_757 = vector.shape_cast %get3A_756 : vector<1x1x32x128xf32> to vector<32x128xf32>
    %transpose3A_758 = tpu.transpose %get3A_757, [1, 0] : vector<32x128xf32> -> vector<128x32xf32>
    %concatenate3A_759 = tpu.concatenate %transpose3A_737, %transpose3A_744, %transpose3A_751, %transpose3A_758 in 1 : vector<128x32xf32>, vector<128x32xf32>, vector<128x32xf32>, vector<128x32xf32> -> vector<128x128xf32>
    %swap3A_760 = arith.constant 21 : index
    %swap3A_761 = arith.constant 0 : index
    %swap3A_762 = arith.constant 0 : index
    %swap3A_763 = vector.load %arg3[%swap3A_760, %swap3A_761, %swap3A_762] : memref<32x128x128xf32, #tpu.memory_space<vmem>>, vector<1x128x128xf32>
    %swap3A_764 = vector.shape_cast %swap3A_763 : vector<1x128x128xf32> to vector<128x128xf32>
    %swap3A_765 = vector.shape_cast %concatenate3A_759 : vector<128x128xf32> to vector<1x128x128xf32>
    tpu.vector_store %arg3[%swap3A_760, %swap3A_761, %swap3A_762], %swap3A_765 {strides = array<i32>} : memref<32x128x128xf32, #tpu.memory_space<vmem>>, vector<1x128x128xf32>,
    %get3A_766 = arith.constant 0 : index
    %get3A_767 = arith.constant 88 : index
    %get3A_768 = arith.constant 0 : index
    %get3A_769 = arith.constant 0 : index
    %get3A_770 = vector.load %arg2[%get3A_766, %get3A_767, %get3A_768, %get3A_769] : memref<1x128x32x128xf32, #tpu.memory_space<vmem>>, vector<1x1x32x128xf32>
    %get3A_771 = vector.shape_cast %get3A_770 : vector<1x1x32x128xf32> to vector<32x128xf32>
    %transpose3A_772 = tpu.transpose %get3A_771, [1, 0] : vector<32x128xf32> -> vector<128x32xf32>
    %get3A_773 = arith.constant 0 : index
    %get3A_774 = arith.constant 89 : index
    %get3A_775 = arith.constant 0 : index
    %get3A_776 = arith.constant 0 : index
    %get3A_777 = vector.load %arg2[%get3A_773, %get3A_774, %get3A_775, %get3A_776] : memref<1x128x32x128xf32, #tpu.memory_space<vmem>>, vector<1x1x32x128xf32>
    %get3A_778 = vector.shape_cast %get3A_777 : vector<1x1x32x128xf32> to vector<32x128xf32>
    %transpose3A_779 = tpu.transpose %get3A_778, [1, 0] : vector<32x128xf32> -> vector<128x32xf32>
    %get3A_780 = arith.constant 0 : index
    %get3A_781 = arith.constant 90 : index
    %get3A_782 = arith.constant 0 : index
    %get3A_783 = arith.constant 0 : index
    %get3A_784 = vector.load %arg2[%get3A_780, %get3A_781, %get3A_782, %get3A_783] : memref<1x128x32x128xf32, #tpu.memory_space<vmem>>, vector<1x1x32x128xf32>
    %get3A_785 = vector.shape_cast %get3A_784 : vector<1x1x32x128xf32> to vector<32x128xf32>
    %transpose3A_786 = tpu.transpose %get3A_785, [1, 0] : vector<32x128xf32> -> vector<128x32xf32>
    %get3A_787 = arith.constant 0 : index
    %get3A_788 = arith.constant 91 : index
    %get3A_789 = arith.constant 0 : index
    %get3A_790 = arith.constant 0 : index
    %get3A_791 = vector.load %arg2[%get3A_787, %get3A_788, %get3A_789, %get3A_790] : memref<1x128x32x128xf32, #tpu.memory_space<vmem>>, vector<1x1x32x128xf32>
    %get3A_792 = vector.shape_cast %get3A_791 : vector<1x1x32x128xf32> to vector<32x128xf32>
    %transpose3A_793 = tpu.transpose %get3A_792, [1, 0] : vector<32x128xf32> -> vector<128x32xf32>
    %concatenate3A_794 = tpu.concatenate %transpose3A_772, %transpose3A_779, %transpose3A_786, %transpose3A_793 in 1 : vector<128x32xf32>, vector<128x32xf32>, vector<128x32xf32>, vector<128x32xf32> -> vector<128x128xf32>
    %swap3A_795 = arith.constant 22 : index
    %swap3A_796 = arith.constant 0 : index
    %swap3A_797 = arith.constant 0 : index
    %swap3A_798 = vector.load %arg3[%swap3A_795, %swap3A_796, %swap3A_797] : memref<32x128x128xf32, #tpu.memory_space<vmem>>, vector<1x128x128xf32>
    %swap3A_799 = vector.shape_cast %swap3A_798 : vector<1x128x128xf32> to vector<128x128xf32>
    %swap3A_800 = vector.shape_cast %concatenate3A_794 : vector<128x128xf32> to vector<1x128x128xf32>
    tpu.vector_store %arg3[%swap3A_795, %swap3A_796, %swap3A_797], %swap3A_800 {strides = array<i32>} : memref<32x128x128xf32, #tpu.memory_space<vmem>>, vector<1x128x128xf32>,
    %get3A_801 = arith.constant 0 : index
    %get3A_802 = arith.constant 92 : index
    %get3A_803 = arith.constant 0 : index
    %get3A_804 = arith.constant 0 : index
    %get3A_805 = vector.load %arg2[%get3A_801, %get3A_802, %get3A_803, %get3A_804] : memref<1x128x32x128xf32, #tpu.memory_space<vmem>>, vector<1x1x32x128xf32>
    %get3A_806 = vector.shape_cast %get3A_805 : vector<1x1x32x128xf32> to vector<32x128xf32>
    %transpose3A_807 = tpu.transpose %get3A_806, [1, 0] : vector<32x128xf32> -> vector<128x32xf32>
    %get3A_808 = arith.constant 0 : index
    %get3A_809 = arith.constant 93 : index
    %get3A_810 = arith.constant 0 : index
    %get3A_811 = arith.constant 0 : index
    %get3A_812 = vector.load %arg2[%get3A_808, %get3A_809, %get3A_810, %get3A_811] : memref<1x128x32x128xf32, #tpu.memory_space<vmem>>, vector<1x1x32x128xf32>
    %get3A_813 = vector.shape_cast %get3A_812 : vector<1x1x32x128xf32> to vector<32x128xf32>
    %transpose3A_814 = tpu.transpose %get3A_813, [1, 0] : vector<32x128xf32> -> vector<128x32xf32>
    %get3A_815 = arith.constant 0 : index
    %get3A_816 = arith.constant 94 : index
    %get3A_817 = arith.constant 0 : index
    %get3A_818 = arith.constant 0 : index
    %get3A_819 = vector.load %arg2[%get3A_815, %get3A_816, %get3A_817, %get3A_818] : memref<1x128x32x128xf32, #tpu.memory_space<vmem>>, vector<1x1x32x128xf32>
    %get3A_820 = vector.shape_cast %get3A_819 : vector<1x1x32x128xf32> to vector<32x128xf32>
    %transpose3A_821 = tpu.transpose %get3A_820, [1, 0] : vector<32x128xf32> -> vector<128x32xf32>
    %get3A_822 = arith.constant 0 : index
    %get3A_823 = arith.constant 95 : index
    %get3A_824 = arith.constant 0 : index
    %get3A_825 = arith.constant 0 : index
    %get3A_826 = vector.load %arg2[%get3A_822, %get3A_823, %get3A_824, %get3A_825] : memref<1x128x32x128xf32, #tpu.memory_space<vmem>>, vector<1x1x32x128xf32>
    %get3A_827 = vector.shape_cast %get3A_826 : vector<1x1x32x128xf32> to vector<32x128xf32>
    %transpose3A_828 = tpu.transpose %get3A_827, [1, 0] : vector<32x128xf32> -> vector<128x32xf32>
    %concatenate3A_829 = tpu.concatenate %transpose3A_807, %transpose3A_814, %transpose3A_821, %transpose3A_828 in 1 : vector<128x32xf32>, vector<128x32xf32>, vector<128x32xf32>, vector<128x32xf32> -> vector<128x128xf32>
    %swap3A_830 = arith.constant 23 : index
    %swap3A_831 = arith.constant 0 : index
    %swap3A_832 = arith.constant 0 : index
    %swap3A_833 = vector.load %arg3[%swap3A_830, %swap3A_831, %swap3A_832] : memref<32x128x128xf32, #tpu.memory_space<vmem>>, vector<1x128x128xf32>
    %swap3A_834 = vector.shape_cast %swap3A_833 : vector<1x128x128xf32> to vector<128x128xf32>
    %swap3A_835 = vector.shape_cast %concatenate3A_829 : vector<128x128xf32> to vector<1x128x128xf32>
    tpu.vector_store %arg3[%swap3A_830, %swap3A_831, %swap3A_832], %swap3A_835 {strides = array<i32>} : memref<32x128x128xf32, #tpu.memory_space<vmem>>, vector<1x128x128xf32>,
    %get3A_836 = arith.constant 0 : index
    %get3A_837 = arith.constant 96 : index
    %get3A_838 = arith.constant 0 : index
    %get3A_839 = arith.constant 0 : index
    %get3A_840 = vector.load %arg2[%get3A_836, %get3A_837, %get3A_838, %get3A_839] : memref<1x128x32x128xf32, #tpu.memory_space<vmem>>, vector<1x1x32x128xf32>
    %get3A_841 = vector.shape_cast %get3A_840 : vector<1x1x32x128xf32> to vector<32x128xf32>
    %transpose3A_842 = tpu.transpose %get3A_841, [1, 0] : vector<32x128xf32> -> vector<128x32xf32>
    %get3A_843 = arith.constant 0 : index
    %get3A_844 = arith.constant 97 : index
    %get3A_845 = arith.constant 0 : index
    %get3A_846 = arith.constant 0 : index
    %get3A_847 = vector.load %arg2[%get3A_843, %get3A_844, %get3A_845, %get3A_846] : memref<1x128x32x128xf32, #tpu.memory_space<vmem>>, vector<1x1x32x128xf32>
    %get3A_848 = vector.shape_cast %get3A_847 : vector<1x1x32x128xf32> to vector<32x128xf32>
    %transpose3A_849 = tpu.transpose %get3A_848, [1, 0] : vector<32x128xf32> -> vector<128x32xf32>
    %get3A_850 = arith.constant 0 : index
    %get3A_851 = arith.constant 98 : index
    %get3A_852 = arith.constant 0 : index
    %get3A_853 = arith.constant 0 : index
    %get3A_854 = vector.load %arg2[%get3A_850, %get3A_851, %get3A_852, %get3A_853] : memref<1x128x32x128xf32, #tpu.memory_space<vmem>>, vector<1x1x32x128xf32>
    %get3A_855 = vector.shape_cast %get3A_854 : vector<1x1x32x128xf32> to vector<32x128xf32>
    %transpose3A_856 = tpu.transpose %get3A_855, [1, 0] : vector<32x128xf32> -> vector<128x32xf32>
    %get3A_857 = arith.constant 0 : index
    %get3A_858 = arith.constant 99 : index
    %get3A_859 = arith.constant 0 : index
    %get3A_860 = arith.constant 0 : index
    %get3A_861 = vector.load %arg2[%get3A_857, %get3A_858, %get3A_859, %get3A_860] : memref<1x128x32x128xf32, #tpu.memory_space<vmem>>, vector<1x1x32x128xf32>
    %get3A_862 = vector.shape_cast %get3A_861 : vector<1x1x32x128xf32> to vector<32x128xf32>
    %transpose3A_863 = tpu.transpose %get3A_862, [1, 0] : vector<32x128xf32> -> vector<128x32xf32>
    %concatenate3A_864 = tpu.concatenate %transpose3A_842, %transpose3A_849, %transpose3A_856, %transpose3A_863 in 1 : vector<128x32xf32>, vector<128x32xf32>, vector<128x32xf32>, vector<128x32xf32> -> vector<128x128xf32>
    %swap3A_865 = arith.constant 24 : index
    %swap3A_866 = arith.constant 0 : index
    %swap3A_867 = arith.constant 0 : index
    %swap3A_868 = vector.load %arg3[%swap3A_865, %swap3A_866, %swap3A_867] : memref<32x128x128xf32, #tpu.memory_space<vmem>>, vector<1x128x128xf32>
    %swap3A_869 = vector.shape_cast %swap3A_868 : vector<1x128x128xf32> to vector<128x128xf32>
    %swap3A_870 = vector.shape_cast %concatenate3A_864 : vector<128x128xf32> to vector<1x128x128xf32>
    tpu.vector_store %arg3[%swap3A_865, %swap3A_866, %swap3A_867], %swap3A_870 {strides = array<i32>} : memref<32x128x128xf32, #tpu.memory_space<vmem>>, vector<1x128x128xf32>,
    %get3A_871 = arith.constant 0 : index
    %get3A_872 = arith.constant 100 : index
    %get3A_873 = arith.constant 0 : index
    %get3A_874 = arith.constant 0 : index
    %get3A_875 = vector.load %arg2[%get3A_871, %get3A_872, %get3A_873, %get3A_874] : memref<1x128x32x128xf32, #tpu.memory_space<vmem>>, vector<1x1x32x128xf32>
    %get3A_876 = vector.shape_cast %get3A_875 : vector<1x1x32x128xf32> to vector<32x128xf32>
    %transpose3A_877 = tpu.transpose %get3A_876, [1, 0] : vector<32x128xf32> -> vector<128x32xf32>
    %get3A_878 = arith.constant 0 : index
    %get3A_879 = arith.constant 101 : index
    %get3A_880 = arith.constant 0 : index
    %get3A_881 = arith.constant 0 : index
    %get3A_882 = vector.load %arg2[%get3A_878, %get3A_879, %get3A_880, %get3A_881] : memref<1x128x32x128xf32, #tpu.memory_space<vmem>>, vector<1x1x32x128xf32>
    %get3A_883 = vector.shape_cast %get3A_882 : vector<1x1x32x128xf32> to vector<32x128xf32>
    %transpose3A_884 = tpu.transpose %get3A_883, [1, 0] : vector<32x128xf32> -> vector<128x32xf32>
    %get3A_885 = arith.constant 0 : index
    %get3A_886 = arith.constant 102 : index
    %get3A_887 = arith.constant 0 : index
    %get3A_888 = arith.constant 0 : index
    %get3A_889 = vector.load %arg2[%get3A_885, %get3A_886, %get3A_887, %get3A_888] : memref<1x128x32x128xf32, #tpu.memory_space<vmem>>, vector<1x1x32x128xf32>
    %get3A_890 = vector.shape_cast %get3A_889 : vector<1x1x32x128xf32> to vector<32x128xf32>
    %transpose3A_891 = tpu.transpose %get3A_890, [1, 0] : vector<32x128xf32> -> vector<128x32xf32>
    %get3A_892 = arith.constant 0 : index
    %get3A_893 = arith.constant 103 : index
    %get3A_894 = arith.constant 0 : index
    %get3A_895 = arith.constant 0 : index
    %get3A_896 = vector.load %arg2[%get3A_892, %get3A_893, %get3A_894, %get3A_895] : memref<1x128x32x128xf32, #tpu.memory_space<vmem>>, vector<1x1x32x128xf32>
    %get3A_897 = vector.shape_cast %get3A_896 : vector<1x1x32x128xf32> to vector<32x128xf32>
    %transpose3A_898 = tpu.transpose %get3A_897, [1, 0] : vector<32x128xf32> -> vector<128x32xf32>
    %concatenate3A_899 = tpu.concatenate %transpose3A_877, %transpose3A_884, %transpose3A_891, %transpose3A_898 in 1 : vector<128x32xf32>, vector<128x32xf32>, vector<128x32xf32>, vector<128x32xf32> -> vector<128x128xf32>
    %swap3A_900 = arith.constant 25 : index
    %swap3A_901 = arith.constant 0 : index
    %swap3A_902 = arith.constant 0 : index
    %swap3A_903 = vector.load %arg3[%swap3A_900, %swap3A_901, %swap3A_902] : memref<32x128x128xf32, #tpu.memory_space<vmem>>, vector<1x128x128xf32>
    %swap3A_904 = vector.shape_cast %swap3A_903 : vector<1x128x128xf32> to vector<128x128xf32>
    %swap3A_905 = vector.shape_cast %concatenate3A_899 : vector<128x128xf32> to vector<1x128x128xf32>
    tpu.vector_store %arg3[%swap3A_900, %swap3A_901, %swap3A_902], %swap3A_905 {strides = array<i32>} : memref<32x128x128xf32, #tpu.memory_space<vmem>>, vector<1x128x128xf32>,
    %get3A_906 = arith.constant 0 : index
    %get3A_907 = arith.constant 104 : index
    %get3A_908 = arith.constant 0 : index
    %get3A_909 = arith.constant 0 : index
    %get3A_910 = vector.load %arg2[%get3A_906, %get3A_907, %get3A_908, %get3A_909] : memref<1x128x32x128xf32, #tpu.memory_space<vmem>>, vector<1x1x32x128xf32>
    %get3A_911 = vector.shape_cast %get3A_910 : vector<1x1x32x128xf32> to vector<32x128xf32>
    %transpose3A_912 = tpu.transpose %get3A_911, [1, 0] : vector<32x128xf32> -> vector<128x32xf32>
    %get3A_913 = arith.constant 0 : index
    %get3A_914 = arith.constant 105 : index
    %get3A_915 = arith.constant 0 : index
    %get3A_916 = arith.constant 0 : index
    %get3A_917 = vector.load %arg2[%get3A_913, %get3A_914, %get3A_915, %get3A_916] : memref<1x128x32x128xf32, #tpu.memory_space<vmem>>, vector<1x1x32x128xf32>
    %get3A_918 = vector.shape_cast %get3A_917 : vector<1x1x32x128xf32> to vector<32x128xf32>
    %transpose3A_919 = tpu.transpose %get3A_918, [1, 0] : vector<32x128xf32> -> vector<128x32xf32>
    %get3A_920 = arith.constant 0 : index
    %get3A_921 = arith.constant 106 : index
    %get3A_922 = arith.constant 0 : index
    %get3A_923 = arith.constant 0 : index
    %get3A_924 = vector.load %arg2[%get3A_920, %get3A_921, %get3A_922, %get3A_923] : memref<1x128x32x128xf32, #tpu.memory_space<vmem>>, vector<1x1x32x128xf32>
    %get3A_925 = vector.shape_cast %get3A_924 : vector<1x1x32x128xf32> to vector<32x128xf32>
    %transpose3A_926 = tpu.transpose %get3A_925, [1, 0] : vector<32x128xf32> -> vector<128x32xf32>
    %get3A_927 = arith.constant 0 : index
    %get3A_928 = arith.constant 107 : index
    %get3A_929 = arith.constant 0 : index
    %get3A_930 = arith.constant 0 : index
    %get3A_931 = vector.load %arg2[%get3A_927, %get3A_928, %get3A_929, %get3A_930] : memref<1x128x32x128xf32, #tpu.memory_space<vmem>>, vector<1x1x32x128xf32>
    %get3A_932 = vector.shape_cast %get3A_931 : vector<1x1x32x128xf32> to vector<32x128xf32>
    %transpose3A_933 = tpu.transpose %get3A_932, [1, 0] : vector<32x128xf32> -> vector<128x32xf32>
    %concatenate3A_934 = tpu.concatenate %transpose3A_912, %transpose3A_919, %transpose3A_926, %transpose3A_933 in 1 : vector<128x32xf32>, vector<128x32xf32>, vector<128x32xf32>, vector<128x32xf32> -> vector<128x128xf32>
    %swap3A_935 = arith.constant 26 : index
    %swap3A_936 = arith.constant 0 : index
    %swap3A_937 = arith.constant 0 : index
    %swap3A_938 = vector.load %arg3[%swap3A_935, %swap3A_936, %swap3A_937] : memref<32x128x128xf32, #tpu.memory_space<vmem>>, vector<1x128x128xf32>
    %swap3A_939 = vector.shape_cast %swap3A_938 : vector<1x128x128xf32> to vector<128x128xf32>
    %swap3A_940 = vector.shape_cast %concatenate3A_934 : vector<128x128xf32> to vector<1x128x128xf32>
    tpu.vector_store %arg3[%swap3A_935, %swap3A_936, %swap3A_937], %swap3A_940 {strides = array<i32>} : memref<32x128x128xf32, #tpu.memory_space<vmem>>, vector<1x128x128xf32>,
    %get3A_941 = arith.constant 0 : index
    %get3A_942 = arith.constant 108 : index
    %get3A_943 = arith.constant 0 : index
    %get3A_944 = arith.constant 0 : index
    %get3A_945 = vector.load %arg2[%get3A_941, %get3A_942, %get3A_943, %get3A_944] : memref<1x128x32x128xf32, #tpu.memory_space<vmem>>, vector<1x1x32x128xf32>
    %get3A_946 = vector.shape_cast %get3A_945 : vector<1x1x32x128xf32> to vector<32x128xf32>
    %transpose3A_947 = tpu.transpose %get3A_946, [1, 0] : vector<32x128xf32> -> vector<128x32xf32>
    %get3A_948 = arith.constant 0 : index
    %get3A_949 = arith.constant 109 : index
    %get3A_950 = arith.constant 0 : index
    %get3A_951 = arith.constant 0 : index
    %get3A_952 = vector.load %arg2[%get3A_948, %get3A_949, %get3A_950, %get3A_951] : memref<1x128x32x128xf32, #tpu.memory_space<vmem>>, vector<1x1x32x128xf32>
    %get3A_953 = vector.shape_cast %get3A_952 : vector<1x1x32x128xf32> to vector<32x128xf32>
    %transpose3A_954 = tpu.transpose %get3A_953, [1, 0] : vector<32x128xf32> -> vector<128x32xf32>
    %get3A_955 = arith.constant 0 : index
    %get3A_956 = arith.constant 110 : index
    %get3A_957 = arith.constant 0 : index
    %get3A_958 = arith.constant 0 : index
    %get3A_959 = vector.load %arg2[%get3A_955, %get3A_956, %get3A_957, %get3A_958] : memref<1x128x32x128xf32, #tpu.memory_space<vmem>>, vector<1x1x32x128xf32>
    %get3A_960 = vector.shape_cast %get3A_959 : vector<1x1x32x128xf32> to vector<32x128xf32>
    %transpose3A_961 = tpu.transpose %get3A_960, [1, 0] : vector<32x128xf32> -> vector<128x32xf32>
    %get3A_962 = arith.constant 0 : index
    %get3A_963 = arith.constant 111 : index
    %get3A_964 = arith.constant 0 : index
    %get3A_965 = arith.constant 0 : index
    %get3A_966 = vector.load %arg2[%get3A_962, %get3A_963, %get3A_964, %get3A_965] : memref<1x128x32x128xf32, #tpu.memory_space<vmem>>, vector<1x1x32x128xf32>
    %get3A_967 = vector.shape_cast %get3A_966 : vector<1x1x32x128xf32> to vector<32x128xf32>
    %transpose3A_968 = tpu.transpose %get3A_967, [1, 0] : vector<32x128xf32> -> vector<128x32xf32>
    %concatenate3A_969 = tpu.concatenate %transpose3A_947, %transpose3A_954, %transpose3A_961, %transpose3A_968 in 1 : vector<128x32xf32>, vector<128x32xf32>, vector<128x32xf32>, vector<128x32xf32> -> vector<128x128xf32>
    %swap3A_970 = arith.constant 27 : index
    %swap3A_971 = arith.constant 0 : index
    %swap3A_972 = arith.constant 0 : index
    %swap3A_973 = vector.load %arg3[%swap3A_970, %swap3A_971, %swap3A_972] : memref<32x128x128xf32, #tpu.memory_space<vmem>>, vector<1x128x128xf32>
    %swap3A_974 = vector.shape_cast %swap3A_973 : vector<1x128x128xf32> to vector<128x128xf32>
    %swap3A_975 = vector.shape_cast %concatenate3A_969 : vector<128x128xf32> to vector<1x128x128xf32>
    tpu.vector_store %arg3[%swap3A_970, %swap3A_971, %swap3A_972], %swap3A_975 {strides = array<i32>} : memref<32x128x128xf32, #tpu.memory_space<vmem>>, vector<1x128x128xf32>,
    %get3A_976 = arith.constant 0 : index
    %get3A_977 = arith.constant 112 : index
    %get3A_978 = arith.constant 0 : index
    %get3A_979 = arith.constant 0 : index
    %get3A_980 = vector.load %arg2[%get3A_976, %get3A_977, %get3A_978, %get3A_979] : memref<1x128x32x128xf32, #tpu.memory_space<vmem>>, vector<1x1x32x128xf32>
    %get3A_981 = vector.shape_cast %get3A_980 : vector<1x1x32x128xf32> to vector<32x128xf32>
    %transpose3A_982 = tpu.transpose %get3A_981, [1, 0] : vector<32x128xf32> -> vector<128x32xf32>
    %get3A_983 = arith.constant 0 : index
    %get3A_984 = arith.constant 113 : index
    %get3A_985 = arith.constant 0 : index
    %get3A_986 = arith.constant 0 : index
    %get3A_987 = vector.load %arg2[%get3A_983, %get3A_984, %get3A_985, %get3A_986] : memref<1x128x32x128xf32, #tpu.memory_space<vmem>>, vector<1x1x32x128xf32>
    %get3A_988 = vector.shape_cast %get3A_987 : vector<1x1x32x128xf32> to vector<32x128xf32>
    %transpose3A_989 = tpu.transpose %get3A_988, [1, 0] : vector<32x128xf32> -> vector<128x32xf32>
    %get3A_990 = arith.constant 0 : index
    %get3A_991 = arith.constant 114 : index
    %get3A_992 = arith.constant 0 : index
    %get3A_993 = arith.constant 0 : index
    %get3A_994 = vector.load %arg2[%get3A_990, %get3A_991, %get3A_992, %get3A_993] : memref<1x128x32x128xf32, #tpu.memory_space<vmem>>, vector<1x1x32x128xf32>
    %get3A_995 = vector.shape_cast %get3A_994 : vector<1x1x32x128xf32> to vector<32x128xf32>
    %transpose3A_996 = tpu.transpose %get3A_995, [1, 0] : vector<32x128xf32> -> vector<128x32xf32>
    %get3A_997 = arith.constant 0 : index
    %get3A_998 = arith.constant 115 : index
    %get3A_999 = arith.constant 0 : index
    %get3A_1000 = arith.constant 0 : index
    %get3A_1001 = vector.load %arg2[%get3A_997, %get3A_998, %get3A_999, %get3A_1000] : memref<1x128x32x128xf32, #tpu.memory_space<vmem>>, vector<1x1x32x128xf32>
    %get3A_1002 = vector.shape_cast %get3A_1001 : vector<1x1x32x128xf32> to vector<32x128xf32>
    %transpose3A_1003 = tpu.transpose %get3A_1002, [1, 0] : vector<32x128xf32> -> vector<128x32xf32>
    %concatenate3A_1004 = tpu.concatenate %transpose3A_982, %transpose3A_989, %transpose3A_996, %transpose3A_1003 in 1 : vector<128x32xf32>, vector<128x32xf32>, vector<128x32xf32>, vector<128x32xf32> -> vector<128x128xf32>
    %swap3A_1005 = arith.constant 28 : index
    %swap3A_1006 = arith.constant 0 : index
    %swap3A_1007 = arith.constant 0 : index
    %swap3A_1008 = vector.load %arg3[%swap3A_1005, %swap3A_1006, %swap3A_1007] : memref<32x128x128xf32, #tpu.memory_space<vmem>>, vector<1x128x128xf32>
    %swap3A_1009 = vector.shape_cast %swap3A_1008 : vector<1x128x128xf32> to vector<128x128xf32>
    %swap3A_1010 = vector.shape_cast %concatenate3A_1004 : vector<128x128xf32> to vector<1x128x128xf32>
    tpu.vector_store %arg3[%swap3A_1005, %swap3A_1006, %swap3A_1007], %swap3A_1010 {strides = array<i32>} : memref<32x128x128xf32, #tpu.memory_space<vmem>>, vector<1x128x128xf32>,
    %get3A_1011 = arith.constant 0 : index
    %get3A_1012 = arith.constant 116 : index
    %get3A_1013 = arith.constant 0 : index
    %get3A_1014 = arith.constant 0 : index
    %get3A_1015 = vector.load %arg2[%get3A_1011, %get3A_1012, %get3A_1013, %get3A_1014] : memref<1x128x32x128xf32, #tpu.memory_space<vmem>>, vector<1x1x32x128xf32>
    %get3A_1016 = vector.shape_cast %get3A_1015 : vector<1x1x32x128xf32> to vector<32x128xf32>
    %transpose3A_1017 = tpu.transpose %get3A_1016, [1, 0] : vector<32x128xf32> -> vector<128x32xf32>
    %get3A_1018 = arith.constant 0 : index
    %get3A_1019 = arith.constant 117 : index
    %get3A_1020 = arith.constant 0 : index
    %get3A_1021 = arith.constant 0 : index
    %get3A_1022 = vector.load %arg2[%get3A_1018, %get3A_1019, %get3A_1020, %get3A_1021] : memref<1x128x32x128xf32, #tpu.memory_space<vmem>>, vector<1x1x32x128xf32>
    %get3A_1023 = vector.shape_cast %get3A_1022 : vector<1x1x32x128xf32> to vector<32x128xf32>
    %transpose3A_1024 = tpu.transpose %get3A_1023, [1, 0] : vector<32x128xf32> -> vector<128x32xf32>
    %get3A_1025 = arith.constant 0 : index
    %get3A_1026 = arith.constant 118 : index
    %get3A_1027 = arith.constant 0 : index
    %get3A_1028 = arith.constant 0 : index
    %get3A_1029 = vector.load %arg2[%get3A_1025, %get3A_1026, %get3A_1027, %get3A_1028] : memref<1x128x32x128xf32, #tpu.memory_space<vmem>>, vector<1x1x32x128xf32>
    %get3A_1030 = vector.shape_cast %get3A_1029 : vector<1x1x32x128xf32> to vector<32x128xf32>
    %transpose3A_1031 = tpu.transpose %get3A_1030, [1, 0] : vector<32x128xf32> -> vector<128x32xf32>
    %get3A_1032 = arith.constant 0 : index
    %get3A_1033 = arith.constant 119 : index
    %get3A_1034 = arith.constant 0 : index
    %get3A_1035 = arith.constant 0 : index
    %get3A_1036 = vector.load %arg2[%get3A_1032, %get3A_1033, %get3A_1034, %get3A_1035] : memref<1x128x32x128xf32, #tpu.memory_space<vmem>>, vector<1x1x32x128xf32>
    %get3A_1037 = vector.shape_cast %get3A_1036 : vector<1x1x32x128xf32> to vector<32x128xf32>
    %transpose3A_1038 = tpu.transpose %get3A_1037, [1, 0] : vector<32x128xf32> -> vector<128x32xf32>
    %concatenate3A_1039 = tpu.concatenate %transpose3A_1017, %transpose3A_1024, %transpose3A_1031, %transpose3A_1038 in 1 : vector<128x32xf32>, vector<128x32xf32>, vector<128x32xf32>, vector<128x32xf32> -> vector<128x128xf32>
    %swap3A_1040 = arith.constant 29 : index
    %swap3A_1041 = arith.constant 0 : index
    %swap3A_1042 = arith.constant 0 : index
    %swap3A_1043 = vector.load %arg3[%swap3A_1040, %swap3A_1041, %swap3A_1042] : memref<32x128x128xf32, #tpu.memory_space<vmem>>, vector<1x128x128xf32>
    %swap3A_1044 = vector.shape_cast %swap3A_1043 : vector<1x128x128xf32> to vector<128x128xf32>
    %swap3A_1045 = vector.shape_cast %concatenate3A_1039 : vector<128x128xf32> to vector<1x128x128xf32>
    tpu.vector_store %arg3[%swap3A_1040, %swap3A_1041, %swap3A_1042], %swap3A_1045 {strides = array<i32>} : memref<32x128x128xf32, #tpu.memory_space<vmem>>, vector<1x128x128xf32>,
    %get3A_1046 = arith.constant 0 : index
    %get3A_1047 = arith.constant 120 : index
    %get3A_1048 = arith.constant 0 : index
    %get3A_1049 = arith.constant 0 : index
    %get3A_1050 = vector.load %arg2[%get3A_1046, %get3A_1047, %get3A_1048, %get3A_1049] : memref<1x128x32x128xf32, #tpu.memory_space<vmem>>, vector<1x1x32x128xf32>
    %get3A_1051 = vector.shape_cast %get3A_1050 : vector<1x1x32x128xf32> to vector<32x128xf32>
    %transpose3A_1052 = tpu.transpose %get3A_1051, [1, 0] : vector<32x128xf32> -> vector<128x32xf32>
    %get3A_1053 = arith.constant 0 : index
    %get3A_1054 = arith.constant 121 : index
    %get3A_1055 = arith.constant 0 : index
    %get3A_1056 = arith.constant 0 : index
    %get3A_1057 = vector.load %arg2[%get3A_1053, %get3A_1054, %get3A_1055, %get3A_1056] : memref<1x128x32x128xf32, #tpu.memory_space<vmem>>, vector<1x1x32x128xf32>
    %get3A_1058 = vector.shape_cast %get3A_1057 : vector<1x1x32x128xf32> to vector<32x128xf32>
    %transpose3A_1059 = tpu.transpose %get3A_1058, [1, 0] : vector<32x128xf32> -> vector<128x32xf32>
    %get3A_1060 = arith.constant 0 : index
    %get3A_1061 = arith.constant 122 : index
    %get3A_1062 = arith.constant 0 : index
    %get3A_1063 = arith.constant 0 : index
    %get3A_1064 = vector.load %arg2[%get3A_1060, %get3A_1061, %get3A_1062, %get3A_1063] : memref<1x128x32x128xf32, #tpu.memory_space<vmem>>, vector<1x1x32x128xf32>
    %get3A_1065 = vector.shape_cast %get3A_1064 : vector<1x1x32x128xf32> to vector<32x128xf32>
    %transpose3A_1066 = tpu.transpose %get3A_1065, [1, 0] : vector<32x128xf32> -> vector<128x32xf32>
    %get3A_1067 = arith.constant 0 : index
    %get3A_1068 = arith.constant 123 : index
    %get3A_1069 = arith.constant 0 : index
    %get3A_1070 = arith.constant 0 : index
    %get3A_1071 = vector.load %arg2[%get3A_1067, %get3A_1068, %get3A_1069, %get3A_1070] : memref<1x128x32x128xf32, #tpu.memory_space<vmem>>, vector<1x1x32x128xf32>
    %get3A_1072 = vector.shape_cast %get3A_1071 : vector<1x1x32x128xf32> to vector<32x128xf32>
    %transpose3A_1073 = tpu.transpose %get3A_1072, [1, 0] : vector<32x128xf32> -> vector<128x32xf32>
    %concatenate3A_1074 = tpu.concatenate %transpose3A_1052, %transpose3A_1059, %transpose3A_1066, %transpose3A_1073 in 1 : vector<128x32xf32>, vector<128x32xf32>, vector<128x32xf32>, vector<128x32xf32> -> vector<128x128xf32>
    %swap3A_1075 = arith.constant 30 : index
    %swap3A_1076 = arith.constant 0 : index
    %swap3A_1077 = arith.constant 0 : index
    %swap3A_1078 = vector.load %arg3[%swap3A_1075, %swap3A_1076, %swap3A_1077] : memref<32x128x128xf32, #tpu.memory_space<vmem>>, vector<1x128x128xf32>
    %swap3A_1079 = vector.shape_cast %swap3A_1078 : vector<1x128x128xf32> to vector<128x128xf32>
    %swap3A_1080 = vector.shape_cast %concatenate3A_1074 : vector<128x128xf32> to vector<1x128x128xf32>
    tpu.vector_store %arg3[%swap3A_1075, %swap3A_1076, %swap3A_1077], %swap3A_1080 {strides = array<i32>} : memref<32x128x128xf32, #tpu.memory_space<vmem>>, vector<1x128x128xf32>,
    %get3A_1081 = arith.constant 0 : index
    %get3A_1082 = arith.constant 124 : index
    %get3A_1083 = arith.constant 0 : index
    %get3A_1084 = arith.constant 0 : index
    %get3A_1085 = vector.load %arg2[%get3A_1081, %get3A_1082, %get3A_1083, %get3A_1084] : memref<1x128x32x128xf32, #tpu.memory_space<vmem>>, vector<1x1x32x128xf32>
    %get3A_1086 = vector.shape_cast %get3A_1085 : vector<1x1x32x128xf32> to vector<32x128xf32>
    %transpose3A_1087 = tpu.transpose %get3A_1086, [1, 0] : vector<32x128xf32> -> vector<128x32xf32>
    %get3A_1088 = arith.constant 0 : index
    %get3A_1089 = arith.constant 125 : index
    %get3A_1090 = arith.constant 0 : index
    %get3A_1091 = arith.constant 0 : index
    %get3A_1092 = vector.load %arg2[%get3A_1088, %get3A_1089, %get3A_1090, %get3A_1091] : memref<1x128x32x128xf32, #tpu.memory_space<vmem>>, vector<1x1x32x128xf32>
    %get3A_1093 = vector.shape_cast %get3A_1092 : vector<1x1x32x128xf32> to vector<32x128xf32>
    %transpose3A_1094 = tpu.transpose %get3A_1093, [1, 0] : vector<32x128xf32> -> vector<128x32xf32>
    %get3A_1095 = arith.constant 0 : index
    %get3A_1096 = arith.constant 126 : index
    %get3A_1097 = arith.constant 0 : index
    %get3A_1098 = arith.constant 0 : index
    %get3A_1099 = vector.load %arg2[%get3A_1095, %get3A_1096, %get3A_1097, %get3A_1098] : memref<1x128x32x128xf32, #tpu.memory_space<vmem>>, vector<1x1x32x128xf32>
    %get3A_1100 = vector.shape_cast %get3A_1099 : vector<1x1x32x128xf32> to vector<32x128xf32>
    %transpose3A_1101 = tpu.transpose %get3A_1100, [1, 0] : vector<32x128xf32> -> vector<128x32xf32>
    %get3A_1102 = arith.constant 0 : index
    %get3A_1103 = arith.constant 127 : index
    %get3A_1104 = arith.constant 0 : index
    %get3A_1105 = arith.constant 0 : index
    %get3A_1106 = vector.load %arg2[%get3A_1102, %get3A_1103, %get3A_1104, %get3A_1105] : memref<1x128x32x128xf32, #tpu.memory_space<vmem>>, vector<1x1x32x128xf32>
    %get3A_1107 = vector.shape_cast %get3A_1106 : vector<1x1x32x128xf32> to vector<32x128xf32>
    %transpose3A_1108 = tpu.transpose %get3A_1107, [1, 0] : vector<32x128xf32> -> vector<128x32xf32>
    %concatenate3A_1109 = tpu.concatenate %transpose3A_1087, %transpose3A_1094, %transpose3A_1101, %transpose3A_1108 in 1 : vector<128x32xf32>, vector<128x32xf32>, vector<128x32xf32>, vector<128x32xf32> -> vector<128x128xf32>
    %swap3A_1110 = arith.constant 31 : index
    %swap3A_1111 = arith.constant 0 : index
    %swap3A_1112 = arith.constant 0 : index
    %swap3A_1113 = vector.load %arg3[%swap3A_1110, %swap3A_1111, %swap3A_1112] : memref<32x128x128xf32, #tpu.memory_space<vmem>>, vector<1x128x128xf32>
    %swap3A_1114 = vector.shape_cast %swap3A_1113 : vector<1x128x128xf32> to vector<128x128xf32>
    %swap3A_1115 = vector.shape_cast %concatenate3A_1109 : vector<128x128xf32> to vector<1x128x128xf32>
    tpu.vector_store %arg3[%swap3A_1110, %swap3A_1111, %swap3A_1112], %swap3A_1115 {strides = array<i32>} : memref<32x128x128xf32, #tpu.memory_space<vmem>>, vector<1x128x128xf32>,
    return
  }
  func.func @transform_0(%arg0: i32, %arg1: i32) -> (i32, i32, i32, i32) {
    %c0_i32 = arith.constant 0 : i32
    %c0_i32_0 = arith.constant 0 : i32
    %c0_i32_1 = arith.constant 0 : i32
    return %arg0, %arg1, %c0_i32, %c0_i32_0 : i32, i32, i32, i32
  }
  func.func @transform_1(%arg0: i32, %arg1: i32) -> (i32, i32, i32) {
    %mul3A = arith.constant 1 : i32
    %mul3A_0 = arith.muli %arg0, %mul3A : i32
    %add3A = arith.addi %mul3A_0, %arg1 : i32
    %c0_i32 = arith.constant 0 : i32
    %c0_i32_1 = arith.constant 0 : i32
    %c0_i32_2 = arith.constant 0 : i32
    return %add3A, %c0_i32, %c0_i32_1 : i32, i32, i32
  }
}

</mosaic_0001>

<sc_bundles>
// kernel: _run.5.cloned.1.call-start
scs
__scs_entry_jumppad:
0x0: {  	(pc) =	sbr.rel $0x88, $3  }
0x1: {  	(tag) =	ssettag $0x0;
	lr =	simm.s32 $0x1  }
0x2: {  	[smem:$0x3F9F] =	sst lr;
	_ =	strace $0xD0000000  }
0x3: {  	_ = 	snop  }
0x4: {  	_ = 	snop  }
0x5: {  	_ = 	snop  }
0x6: {  	_ = 	snop  }
0x7: {  	_ = 	snop  }
__scs_overlays_trampoline_lowered:
0x8: {  	[smem:$0x3FAE] =	sst s0  }
0x9: {  	[smem:$0x3FAF] =	sst s1  }
0xa: {  	[smem:$0x3FB0] =	sst s2  }
0xb: {  	[smem:$0x3FB1] =	sst s3  }
0xc: {  	[smem:$0x3FB2] =	sst s4  }
0xd: {  	[smem:$0x3FB3] =	sst s5  }
0xe: {  	[smem:$0x3FB4] =	sst s6  }
0xf: {  	[smem:$0x3FB5] =	sst s7  }
0x10: {  	[smem:$0x3FB6] =	sst s8  }
0x11: {  	[smem:$0x3FB7] =	sst s9;
	s0 =	simm.s32 @!p0 $0x0  }
0x12: {  	s1 =	sld [smem:$0x3F9D];
	s0 =	simm.s32 @p0 $0x1  }
0x13: {  	[smem:$0x3FB8] =	sst s0;
	s0 =	simm.s32 @!p1 $0x0  }
0x14: {  	s2 =	sld [smem:$0x3F9C];
	s0 =	simm.s32 @p1 $0x1  }
0x15: {  	[smem:$0x3FB9] =	sst s0;
	s0 =	simm.s32 @!p2 $0x0  }
0x16: {  	s3 =	sld [smem:$0x3FDB];
	s0 =	simm.s32 @p2 $0x1  }
0x17: {  	s4 =	simm.s32 $0x1BF5;
	[smem:$0x3FBB] =	sst s0  }
0x18: {  	s0 =	sld [smem:$0x3F9E];
	_ =	swait.ge [sflag:s4], $0x0  }
0x19: {  	s7 =	sld [smem:$0x3F9F]  }
0x1a: {  	s8 =	sadd.s32 $0xFFFFE003, lr  }
0x1b: {  	s9 =	sadd.s32 $0xFFFFFEF7, lr;
	s5 =	simm.s32 $0xFFFFFFFF;
	p2 =	slt.u32 s8, $0xFFFFF086  }
0x1c: {  	p1 =	slt.u32 s9, $0xF7A;
	s5 =	simm.s32 @!p2 $0x0  }
0x1d: {  	s5 =	simm.s32 @p1 $0x1;
	p0 =	seq.s32 s7, s2  }
0x1e: {  	s7 =	smul.u32 @!p0 $0xF7A, s2;
	p2 =	seq.s32 @!p0 s5, $0x0  }
0x1f: {  	s9 =	smul.u32 $0xF7A, s1;
	s8 =	simm.s32 @!p0 $0x1BF5;
	p2 =	por !p2, p0  }
0x20: {  	[sflag:s8] =	ssyncset.s32 @!p0 $0xFFFFF086;
	s6 =	sadd.s32 @!p0 s3, s7;
	s7 =	simm.s32 @!p0 $0x108  }
0x21: {  	s3 =	sadd.s32 s3, s9;
	s6 =	sadd.s32 @!p0 $0x88, s6;
	s7 =	simm.s32 @p2 $0x1082  }
0x22: {  	[simem:s7], [sflag:s8] =	dma.local @!p0 [hbm:s6], $0xF7A  }
0x23: {  	s9 =	sor.u32 $0xD0000000, s2;
	s6 =	simm.s32 $0x108;
	_ =	swait.ge @!p0 [sflag:s8], $0x0  }
0x24: {  	s3 =	sadd.s32 $0x88, s3;
	s6 =	simm.s32 @!p1 $0x1082;
	[sflag:s4] =	ssyncset.s32 $0xFFFFF086  }
0x25: {  	[simem:s6], [sflag:s4] =	dma.local [hbm:s3], $0xF7A  }
0x26: {  	[smem:$0x3F9F] =	sst s1;
	(tag) =	ssettag s2;
	_ =	strace s9  }
0x27: {  	s1 =	sld [smem:$0x3FAF]  }
0x28: {  	s2 =	sld [smem:$0x3FB0]  }
0x29: {  	s4 =	sld [smem:$0x3FB2]  }
0x2a: {  	p0 =	seq.s32 s5, $0x0;
	s5 =	sld [smem:$0x3FB3]  }
0x2b: {  	s6 =	sld [smem:$0x3FB4]  }
0x2c: {  	s7 =	sld [smem:$0x3FB5]  }
0x2d: {  	s3 =	simm.s32 $0x108;
	s8 =	sld [smem:$0x3FB6]  }
0x2e: {  	s3 =	simm.s32 @!p0 $0x1082;
	s9 =	sld [smem:$0x3FB7]  }
0x2f: {  	lr =	sadd.s32 s0, s3;
	s0 =	sld [smem:$0x3FAE]  }
0x30: {  	s3 =	sld [smem:$0x3FB1]  }
0x31: {  	[smem:$0x3FBA] =	sst s10  }
0x32: {  	s10 =	sld [smem:$0x3FB8];
	_ =	sdelay $0x3  }
0x33: {  	p0 =	seq.s32 s10, $0x1;
	s10 =	sld [smem:$0x3FBA];
	_ =	sdelay $0x3  }
0x34: {  	[smem:$0x3FBA] =	sst s10  }
0x35: {  	s10 =	sld [smem:$0x3FB9];
	_ =	sdelay $0x3  }
0x36: {  	p1 =	seq.s32 s10, $0x1;
	s10 =	sld [smem:$0x3FBA];
	_ =	sdelay $0x3  }
0x37: {  	[smem:$0x3FBA] =	sst s10  }
0x38: {  	s10 =	sld [smem:$0x3FBB]  }
0x39: {  	_ = 	snop;
	(pc) =	sbr.ind lr, $3  }
0x3a: {  	_ = 	snop  }
0x3b: {  	_ = 	snop  }
0x3c: {  	p2 =	seq.s32 s10, $0x1;
	s10 =	sld [smem:$0x3FBA]  }
0x3d: {  	_ =	shalt  }
0x3e: {  	_ =	shalt  }
0x3f: {  	_ =	shalt  }
0x40: {  	_ =	shalt  }
0x41: {  	_ =	shalt  }
0x42: {  	_ =	shalt  }
0x43: {  	_ =	shalt  }
0x44: {  	_ =	shalt  }
0x45: {  	_ =	shalt  }
0x46: {  	_ =	shalt  }
0x47: {  	_ =	shalt  }
0x48: {  	_ =	shalt  }
0x49: {  	_ =	shalt  }
0x4a: {  	_ =	shalt  }
0x4b: {  	_ =	shalt  }
0x4c: {  	_ =	shalt  }
0x4d: {  	_ =	shalt  }
0x4e: {  	_ =	shalt  }
0x4f: {  	_ =	shalt  }
0x50: {  	_ =	shalt  }
0x51: {  	_ =	shalt  }
0x52: {  	_ =	shalt  }
0x53: {  	_ =	shalt  }
0x54: {  	_ =	shalt  }
0x55: {  	_ =	shalt  }
0x56: {  	_ =	shalt  }
0x57: {  	_ =	shalt  }
0x58: {  	_ =	shalt  }
0x59: {  	_ =	shalt  }
0x5a: {  	_ =	shalt  }
0x5b: {  	_ =	shalt  }
0x5c: {  	_ =	shalt  }
0x5d: {  	_ =	shalt  }
0x5e: {  	_ =	shalt  }
0x5f: {  	_ =	shalt  }
0x60: {  	_ =	shalt  }
0x61: {  	_ =	shalt  }
0x62: {  	_ =	shalt  }
0x63: {  	_ =	shalt  }
0x64: {  	_ =	shalt  }
0x65: {  	_ =	shalt  }
0x66: {  	_ =	shalt  }
0x67: {  	_ =	shalt  }
0x68: {  	_ =	shalt  }
0x69: {  	_ =	shalt  }
0x6a: {  	_ =	shalt  }
0x6b: {  	_ =	shalt  }
0x6c: {  	_ =	shalt  }
0x6d: {  	_ =	shalt  }
0x6e: {  	_ =	shalt  }
0x6f: {  	_ =	shalt  }
0x70: {  	_ =	shalt  }
0x71: {  	_ =	shalt  }
0x72: {  	_ =	shalt  }
0x73: {  	_ =	shalt  }
0x74: {  	_ =	shalt  }
0x75: {  	_ =	shalt  }
0x76: {  	_ =	shalt  }
0x77: {  	_ =	shalt  }
0x78: {  	_ =	shalt  }
0x79: {  	_ =	shalt  }
0x7a: {  	_ =	shalt  }
0x7b: {  	_ =	shalt  }
0x7c: {  	_ =	shalt  }
0x7d: {  	_ =	shalt  }
0x7e: {  	_ =	shalt  }
0x7f: {  	_ =	shalt  }
0x80: {  	_ =	shalt  }
0x81: {  	_ =	shalt  }
0x82: {  	_ =	shalt  }
0x83: {  	_ =	shalt  }
0x84: {  	_ =	shalt  }
0x85: {  	_ =	shalt  }
0x86: {  	_ =	shalt  }
0x87: {  	_ =	shalt  }
.Lfunc_end0:
.L_simem_size_0:
called_computation.1_lowered:
.L_overlay_start_0:
0x88: {  	s2 =	sld [smem:$0x3FD9]  }
0x89: {  	s3 =	sld [smem:$0x3FFE];
	_ =	sdelay $0x1  }
0x8a: {  	s1 =	srdreg.scid  }
0x8b: {  	s0 =	sand.u32 $0x1, s1  }
0x8c: {  	s17 =	sshll.u32 s0, $0xA;
	s2 =	sadd.s32 s3, s2  }
0x8d: {  	s2 =	sadd.s32 s2, s17  }
0x8e: {  	[smem:$0x3FC6] =	sst s2  }
0x8f: {  	_ = 	snop  }
0x90: {  	s2 =	sld [smem:$0x3FD0];
	(tm) =	ssettm $0x1  }
0x91: {  	s18 =	sld [smem:$0x3FFB];
	_ =	sdelay $0x3  }
0x92: {  	_ =	strace s18  }
0x93: {  	s3 =	sld [smem:$0x3FFC];
	_ =	sdelay $0x3  }
0x94: {  	_ =	strace s3  }
0x95: {  	s3 =	sld [smem:$0x3FFD];
	_ =	sdelay $0x3  }
0x96: {  	_ =	strace s3  }
0x97: {  	_ =	strace $0x8FFFFFFF  }
0x98: {  	s19 =	sld [smem:$0x3FDB];
	_ =	sdelay $0x1  }
0x99: {  	s4 =	simm.s32 $_scs_section_size  }
0x9a: {  	s5 =	simm.s32 $_size__tile_overlayer_lowered;
	s6 =	simm.s32 $_tile_overlayer_lowered  }
0x9b: {  	s22 =	simm.s32 $0x1BFF;
	s21 =	sshll.u32 s6, $0x1;
	s3 =	sadd.s32 s4, s19  }
0x9c: {  	s7 =	simm.s32 $0x0;
	s20 =	sshll.u32 s5, $0x1;
	s5 =	sadd.s32 s21, s3  }
0x9d: {  	[timem:s7], [sflag:s22] =	dma.local [hbm:s5], s20  }
0x9e: {  	_ =	swait.ge [sflag:s22], s20  }
0x9f: {  	s4 =	ssub.s32 $0x0, s20;
	[sflag:s22] =	ssyncset.done $0x0  }
0xa0: {  	[sflag:s22] =	ssyncadd.s32 s4;
	_ =	sdelay $0x1  }
0xa1: {  	s23 =	simm.s32 $0x1B8B  }
0xa2: {  	_ =	swait.ge [sflag:s23], $0x1  }
0xa3: {  	[sflag:s23] =	ssyncset.done $0x0  }
0xa4: {  	s25 =	simm.s32 $0x1B8E;
	s24 =	sld [smem:$0x3FFE];
	[sflag:s23] =	ssyncadd.s32 $0xFFFFFFFF  }
0xa5: {  	s26 =	simm.s32 $execute0_lowered;
	[smem:$0x3FD2] =	sst s25  }
0xa6: {  	s5 =	sshll.u32 s26, $0x1;
	_ =	strace $0x80000046;
	[dreg:$0x1] =	wrdreg $0xFFFFFFFF  }
0xa7: {  	s28 =	simm.s32 $_size_execute0_lowered;
	s3 =	sadd.s32 s3, s5;
	[dreg:$0x0] =	wrdreg $0x0  }
0xa8: {  	s5 =	sshll.u32 s28, $0x1;
	[dreg:$0x2] =	wrdreg s3  }
0xa9: {  	[dreg:$0x3] =	wrdreg s5  }
0xaa: {  	[dreg:$0x4] =	wrdreg $0xC0  }
0xab: {  	_ =	task [dreg:s7], $0x5FFFF  }
0xac: {  	[dreg:$0x1] =	wrdreg $0xFFFFFFFF  }
0xad: {  	[dreg:$0x0] =	wrdreg $0x60  }
0xae: {  	[dreg:$0x2] =	wrdreg s24  }
0xaf: {  	[dreg:$0x3] =	wrdreg s2  }
0xb0: {  	[dreg:$0x4] =	wrdreg $0x9  }
0xb1: {  	_ =	task.clear_ibuf [dreg:s7], $0x5FFFF;
	_ =	strace $0x90000046  }
0xb2: {  	s29 =	simm.s32 $0x9;
	_ =	strace $0x80000048  }
0xb3: {  	_ =	swait.ge [sflag:s29], $0x1  }
0xb4: {  	[sflag:s29] =	ssyncadd.s32 $0xFFFFFFFF  }
0xb5: {  	_ =	strace $0x90000048  }
0xb6: {  	_ =	sfence  }
0xb7: {  	s30 =	sld [smem:$0x0];
	_ =	sdelay $0x2  }
0xb8: {  	s31 =	sshll.u32 s1, $0xD;
	s1 =	sshrl.u32 s1, $0x2  }
0xb9: {  	s3 =	sand.u32 $0x4000, s31;
	s1 =	sadd.s32 s1, s30  }
0xba: {  	s0 =	sor.u32 s3, s0;
	s1 =	sshll.u32 s1, $0x11  }
0xbb: {  	s0 =	sor.u32 s1, s0  }
0xbc: {  	s0 =	sadd.s32 $0x8F2B, s0  }
0xbd: {  	[sflag:s0] =	ssyncadd.remote.s32 $0x1  }
0xbe: {  	_ =	sfence.sel $0xFFFF  }
0xbf: {  	[dreg:$0x0] =	wrdreg $0xFFFFFFFF;
	(pc) =	sbr.abs _section_cstart, $3  }
0xc0: {  	[dreg:$0x1] =	wrdreg $0xFFFFFFFF  }
0xc1: {  	_ =	task.clear_ibuf [dreg:s7], $0x2FFFF;
	_ =	strace $0x9FFFFFFF  }
0xc2: {  	(tm) =	ssettm $0x7FFFFFFF  }
0xc3: {  	_ =	shalt  }
tec
execute0_lowered:
.L_overlay_start_1:
0x0: {  	(tag) =	ssettag $0x1  }
0x1: {  	s0 =	srdreg.scid  }
0x2: {  	s12 =	stileid.u32;
	s23 =	rddreg [dreg:$0x0]  }
0x3: {  	s7 =	rddreg [dreg:$0x1];
	s3 =	simm.s32 $0x0;
	s13 =	simm.s32 $0x500  }
0x4: {  	s14 =	simm.s32 $0x1500;
	s15 =	simm.s32 $0x100;
	s16 =	simm.s32 $0x2500  }
0x5: {  	s17 =	simm.s32 $0x180;
	s18 =	simm.s32 $0x3500;
	s19 =	simm.s32 $0x200  }
0x6: {  	s20 =	simm.s32 $0x4500;
	s21 =	simm.s32 $0x3;
	s22 =	simm.s32 $0x2  }
0x7: {  	s28 =	simm.s32 $0x7500;
	s29 =	simm.s32 $0x400;
	s30 =	simm.s32 $0x8500  }
0x8: {  	s31 =	simm.s32 $0x480;
	s0 =	sand.u32 $0x1, s0;
	s1 =	sshll.u32 s12, $0x1  }
0x9: {  	[smem:$0x7FF] =	sst s3;
	s5 =	sadd.s32 $0x3D600, s23;
	s2 =	sor.u32 s0, s1  }
0xa: {  	s25 =	smul.u32 $0x1400, s12;
	s12 =	simm.s32 $0x80;
	s6 =	sor.u32 $0x20, s2  }
0xb: {  	s24 =	ssub.s32 $0x2, s0;
	s0 =	smul.u32 $0xA00, s0;
	s4 =	sand.u32 $0xFF, s6  }
0xc: {  	_ =	strace $0x80000047;
	s9 =	sadd.s32 $0xFFFFFFE7, s2;
	s4 =	smul.u32 $0x29, s4  }
0xd: {  	p0 =	sgt.u32 s2, $0x18;
	s11 =	sshrl.u32 s24, $0x1;
	s7 =	sadd.s32 s25, s7  }
0xe: {  	s25 =	simm.s32 $0x6500;
	s9 =	smin.u32 s2, s9;
	s8 =	sshrl.u32 s4, $0xA  }
0xf: {  	s1 =	ssub.s32 s24, s11;
	s0 =	sadd.s32 s0, s7;
	s10 =	smul.u32 $0x19, s8  }
0x10: {  	s11 =	simm.s32 $0x1;
	s9 =	smul.u32 $0x280, s9;
	s1 =	smax.u32 s1, $0x1  }
0x11: {  	s0 =	sadd.s32 $0x14000, s0;
	[dreg:$0x5] =	wrdreg s1;
	s6 =	ssub.s32 s6, s10  }
0x12: {  	s8 =	smul.u32 $0x3E80, s8;
	s10 =	simm.s32 $0x3E80;
	s6 =	sand.u32 $0xFF, s6  }
0x13: {  	[dreg:$0x6] =	wrdreg s0;
	s10 =	simm.s32 @!p0 $0x0;
	s6 =	smul.u32 $0x280, s6  }
.Ltmp0:
0x14: {  	s1 =	simm.s32 $0x9500;
	s9 =	sadd.s32 s9, s10;
	(pc) =	sbr.rel .LBB2_1-.Ltmp0, $4  }
0x15: {  	s4 =	sadd.s32 $0x400, s23;
	s9 =	sshrl.u32 s9, $0x3;
	s6 =	sadd.s32 s6, s8  }
0x16: {  	s0 =	simm.s32 $0x4;
	s26 =	sadd.s32 s4, s9;
	s6 =	sshrl.u32 s6, $0x3  }
0x17: {  	s23 =	simm.s32 $0x5500;
	[dreg:$0x3] =	wrdreg s26;
	s6 =	sadd.s32 s4, s6  }
0x18: {  	s8 =	simm.s32 $0x0;
	s26 =	simm.s32 $0x380;
	[dreg:$0x4] =	wrdreg s6  }
.LBB2_5:
0x19: {  	s6 =	simm.s32 $0x5  }
0x1a: {  	_ =	swait.ge [sflag:s6], $0x5000  }
0x1b: {  	[sflag:s6] =	ssyncset.done $0x0  }
0x1c: {  	s7 =	simm.s32 $0x6;
	[sflag:s6] =	ssyncadd.s32 $0xFFFFB000  }
0x1d: {  	_ =	swait.ge [sflag:s7], $0x5000  }
0x1e: {  	s8 =	rddreg [dreg:$0x7]  }
0x1f: {  	s24 =	rddreg [dreg:$0x5];
	s8 =	sadd.s32 $0x1, s8  }
0x20: {  	p0 =	sne.s32 s8, s24  }
.Ltmp1:
0x21: {  	_ = 	snop;
	(pc) =	sbr.rel @!p0 .LBB2_6-.Ltmp1, $3  }
0x22: {  	_ =	sdelay $0x1  }
0x23: {  	[sflag:s7] =	ssyncset.done $0x0  }
0x24: {  	[sflag:s7] =	ssyncadd.s32 $0xFFFFB000  }
.LBB2_1:
0x25: {  	[dreg:$0x7] =	wrdreg s8  }
.Ltmp2:
0x26: {  	s6 =	rddreg [dreg:$0x3];
	(pc) =	sbr.rel .LBB2_2-.Ltmp2, $4  }
0x27: {  	s24 =	rddreg [dreg:$0x4]  }
0x28: {  	[tilespmem:s3], [sflag:$0x1] =	stream.linear.gather [hbm4b:s6+s3], $0x280, $0x38;
	[tilespmem:$0xA500] =	vst v63  }
0x29: {  	s7 =	simm.s32 $0x280;
	s9 =	rddreg [dreg:$0x6];
	s6 =	simm.s32 $0x0  }
0x2a: {  	[tilespmem:s7], [sflag:$0x2] =	stream.linear.gather [hbm4b:s24+s3], $0x280, $0x38;
	[tilespmem:$0xA500] =	vst v63  }
.LBB2_4:
0x2b: {  	s6 =	sadd.s32 $0x40, s6  }
0x2c: {  	p0 =	sne.s32 s6, $0xC40  }
.Ltmp3:
0x2d: {  	_ = 	snop;
	(pc) =	sbr.rel @!p0 .LBB2_5-.Ltmp3, $2  }
0x2e: {  	_ =	sdelay $0x2  }
0x2f: {  	s9 =	sadd.s32 $0x28000, s9  }
.LBB2_2:
0x30: {  	_ =	swait.ge [sflag:s11], $0x280  }
0x31: {  	p0 =	seq.s32 s6, $0x0;
	[sflag:s11] =	ssyncset.done $0x0  }
0x32: {  	s7 =	simm.s32 @!p0 $0x5;
	[sflag:s11] =	ssyncadd.s32 $0xFFFFFD80  }
0x33: {  	_ =	swait.ge @!p0 [sflag:s7], $0x5000  }
0x34: {  	[sflag:s7] =	ssyncset.done @!p0 $0x0  }
0x35: {  	[sflag:s7] =	ssyncadd.s32 @!p0 $0xFFFFB000;
	s7 =	sadd.s32 s6, s2  }
0x36: {  	[tilespmem:s13], [sflag:$0x3] =	stream.indirect.gather [hbm4b:s5+s12], $0x20, s3, s12, $0xb8;
	[tilespmem:$0xA500] =	vst v63  }
0x37: {  	s8 =	sadd.s32 $0x40, s7  }
0x38: {  	[tilespmem:s14], [sflag:$0x3] =	stream.indirect.gather [hbm4b:s5+s12], $0x20, s12, s12, $0xb8;
	[tilespmem:$0xA500] =	vst v63  }
0x39: {  	p1 =	sgt.u32 s8, $0xC34  }
0x3a: {  	[tilespmem:s16], [sflag:$0x3] =	stream.indirect.gather [hbm4b:s5+s12], $0x20, s15, s12, $0xb8;
	[tilespmem:$0xA500] =	vst v63  }
0x3b: {  	s10 =	smul.u32 @!p1 $0x47AF, s8  }
0x3c: {  	[tilespmem:s18], [sflag:$0x3] =	stream.indirect.gather [hbm4b:s5+s12], $0x20, s17, s12, $0xb8;
	[tilespmem:$0xA500] =	vst v63  }
0x3d: {  	s10 =	sshrl.u32 @!p1 s10, $0x10  }
0x3e: {  	[tilespmem:s20], [sflag:$0x3] =	stream.indirect.gather [hbm4b:s5+s12], $0x20, s19, s12, $0xb8;
	[tilespmem:$0xA500] =	vst v63  }
0x3f: {  	s24 =	ssub.s32 @!p1 s8, s10;
	_ =	swait.ge [sflag:s21], $0x1000  }
0x40: {  	s24 =	sand.u32 @!p1 $0xFFFE, s24;
	[sflag:s21] =	ssyncset.done $0x0  }
0x41: {  	s24 =	sshrl.u32 @!p1 s24, $0x1;
	[sflag:s21] =	ssyncadd.s32 $0xFFFFF000  }
0x42: {  	s10 =	sadd.s32 @!p1 s10, s24;
	_ =	swait.ge [sflag:s21], $0x1000  }
0x43: {  	s10 =	sand.u32 @!p1 $0xFFF0, s10;
	[sflag:s21] =	ssyncset.done $0x0  }
0x44: {  	s10 =	sshrl.u32 @!p1 s10, $0x4;
	[sflag:s21] =	ssyncadd.s32 $0xFFFFF000  }
0x45: {  	s24 =	smul.u32 @!p1 $0x19, s10;
	_ =	swait.ge [sflag:s21], $0x1000  }
0x46: {  	[sflag:s21] =	ssyncset.done $0x0  }
0x47: {  	s8 =	ssub.s32 @!p1 s8, s24;
	[sflag:s21] =	ssyncadd.s32 $0xFFFFF000  }
0x48: {  	s8 =	smul.u32 @!p1 $0x280, s8;
	_ =	swait.ge [sflag:s21], $0x1000  }
0x49: {  	s10 =	smul.u32 @!p1 $0x3E80, s10;
	[sflag:s21] =	ssyncset.done $0x0  }
0x4a: {  	s8 =	sand.u32 @!p1 $0xFF80, s8;
	[sflag:s21] =	ssyncadd.s32 $0xFFFFF000  }
0x4b: {  	s8 =	sadd.s32 @!p1 s8, s10;
	_ =	swait.ge [sflag:s21], $0x1000  }
0x4c: {  	s24 =	sadd.s32 $0x20, s7;
	s8 =	sshrl.u32 @!p1 s8, $0x3;
	[sflag:s21] =	ssyncset.done $0x0  }
0x4d: {  	s10 =	simm.s32 @!p1 $0x0;
	s8 =	sadd.s32 @!p1 s4, s8;
	[sflag:s21] =	ssyncadd.s32 $0xFFFFF000  }
0x4e: {  	[tilespmem:s10], [sflag:$0x1] =	stream.linear.gather @!p1 [hbm4b:s8+s10], $0x280, $0x38;
	[tilespmem:$0xA500] =	vst v63  }
0x4f: {  	p1 =	sgt.u32 s24, $0xC34  }
.Ltmp4:
0x50: {  	_ = 	snop;
	(pc) =	sbr.rel @p1 .LBB2_4-.Ltmp4, $3  }
0x51: {  	_ =	sdelay $0x1  }
0x52: {  	s10 =	sadd.s32 $0xFFFEC000, s9  }
0x53: {  	[hbm4b:s10+s3] =	stream.linear.scatter [tilespmem:s13], [sflag:$0x5], $0x5000, $0x38;
	[tilespmem:$0xA500] =	vst v63  }
0x54: {  	_ =	swait.ge [sflag:s22], $0x280  }
0x55: {  	[sflag:s22] =	ssyncset.done $0x0  }
0x56: {  	s8 =	simm.s32 @!p0 $0x6;
	[sflag:s22] =	ssyncadd.s32 $0xFFFFFD80  }
0x57: {  	_ =	swait.ge @!p0 [sflag:s8], $0x5000  }
0x58: {  	[sflag:s8] =	ssyncset.done @!p0 $0x0  }
0x59: {  	s10 =	simm.s32 $0x280;
	[sflag:s8] =	ssyncadd.s32 @!p0 $0xFFFFB000  }
0x5a: {  	[tilespmem:s23], [sflag:$0x4] =	stream.indirect.gather [hbm4b:s5+s12], $0x20, s10, s12, $0xb8;
	[tilespmem:$0xA500] =	vst v63  }
0x5b: {  	s24 =	simm.s32 $0x300;
	s7 =	sadd.s32 $0x60, s7  }
0x5c: {  	[tilespmem:s25], [sflag:$0x4] =	stream.indirect.gather [hbm4b:s5+s12], $0x20, s24, s12, $0xb8;
	[tilespmem:$0xA500] =	vst v63  }
0x5d: {  	p0 =	sgt.u32 s7, $0xC34  }
0x5e: {  	[tilespmem:s28], [sflag:$0x4] =	stream.indirect.gather [hbm4b:s5+s12], $0x20, s26, s12, $0xb8;
	[tilespmem:$0xA500] =	vst v63  }
0x5f: {  	s8 =	smul.u32 @!p0 $0x47AF, s7  }
0x60: {  	[tilespmem:s30], [sflag:$0x4] =	stream.indirect.gather [hbm4b:s5+s12], $0x20, s29, s12, $0xb8;
	[tilespmem:$0xA500] =	vst v63  }
0x61: {  	s8 =	sshrl.u32 @!p0 s8, $0x10  }
0x62: {  	[tilespmem:s1], [sflag:$0x4] =	stream.indirect.gather [hbm4b:s5+s12], $0x20, s31, s12, $0xb8;
	[tilespmem:$0xA500] =	vst v63  }
0x63: {  	s10 =	ssub.s32 @!p0 s7, s8;
	_ =	swait.ge [sflag:s0], $0x1000  }
0x64: {  	s10 =	sand.u32 @!p0 $0xFFFE, s10;
	[sflag:s0] =	ssyncset.done $0x0  }
0x65: {  	s10 =	sshrl.u32 @!p0 s10, $0x1;
	[sflag:s0] =	ssyncadd.s32 $0xFFFFF000  }
0x66: {  	s8 =	sadd.s32 @!p0 s8, s10;
	_ =	swait.ge [sflag:s0], $0x1000  }
0x67: {  	s8 =	sand.u32 @!p0 $0xFFF0, s8;
	[sflag:s0] =	ssyncset.done $0x0  }
0x68: {  	s8 =	sshrl.u32 @!p0 s8, $0x4;
	[sflag:s0] =	ssyncadd.s32 $0xFFFFF000  }
0x69: {  	s10 =	smul.u32 @!p0 $0x19, s8;
	_ =	swait.ge [sflag:s0], $0x1000  }
0x6a: {  	[sflag:s0] =	ssyncset.done $0x0  }
0x6b: {  	s7 =	ssub.s32 @!p0 s7, s10;
	[sflag:s0] =	ssyncadd.s32 $0xFFFFF000  }
0x6c: {  	s7 =	smul.u32 @!p0 $0x280, s7;
	_ =	swait.ge [sflag:s0], $0x1000  }
0x6d: {  	s8 =	smul.u32 @!p0 $0x3E80, s8;
	[sflag:s0] =	ssyncset.done $0x0  }
0x6e: {  	s7 =	sand.u32 @!p0 $0xFF80, s7;
	[sflag:s0] =	ssyncadd.s32 $0xFFFFF000  }
0x6f: {  	s10 =	simm.s32 @!p0 $0x280;
	s7 =	sadd.s32 @!p0 s7, s8;
	_ =	swait.ge [sflag:s0], $0x1000  }
.Ltmp5:
0x70: {  	s7 =	sshrl.u32 @!p0 s7, $0x3;
	[sflag:s0] =	ssyncset.done $0x0;
	(pc) =	sbr.rel .LBB2_4-.Ltmp5, $4  }
0x71: {  	s8 =	simm.s32 @!p0 $0x0;
	s7 =	sadd.s32 @!p0 s4, s7;
	[sflag:s0] =	ssyncadd.s32 $0xFFFFF000  }
0x72: {  	[tilespmem:s10], [sflag:$0x2] =	stream.linear.gather @!p0 [hbm4b:s7+s8], $0x280, $0x38;
	[tilespmem:$0xA500] =	vst v63  }
0x73: {  	_ = 	snop  }
0x74: {  	[hbm4b:s9+s3] =	stream.linear.scatter [tilespmem:s23], [sflag:$0x6], $0x5000, $0x38;
	[tilespmem:$0xA500] =	vst v63  }
.LBB2_6:
0x75: {  	_ =	sfence.sel $0x180000  }
0x76: {  	[bflag:$0x0] =	sbarrier.arrive $0xFFFF  }
0x77: {  	_ =	strace $0x90000047  }
0x78: {  	s0 =	stileid.u32;
	[bflag:$0x2] =	sbarrier.arrive $0xFFFF  }
0x79: {  	p0 =	sne.s32 s0, $0x0;
	s0 =	rddreg [dreg:$0x2]  }
0x7a: {  	s0 =	sadd.s32 @!p0 $0x100000, s0  }
0x7b: {  	[sflag:s0] =	ssyncadd.tile.s32 @!p0 $0x1;
	_ =	shalt  }
.Lfunc_end2:
_tile_overlayer_lowered:
.L_overlay_start_2:
0x7c: {  	(tag) =	ssettag $0x2  }
0x7d: {  	s0 =	rddreg [dreg:$0x0];
	s2 =	stileid.u32  }
0x7e: {  	s1 =	rddreg [dreg:$0x1];
	p0 =	sne.s32 s2, $0x0  }
0x7f: {  	s3 =	rddreg [dreg:$0x2];
	[bflag:$0x3] =	sbarrier.arrive $0xFFFF;
	s2 =	simm.s32 @!p0 $0x1C07  }
0x80: {  	[timem:s3], [sflag:s2] =	dma.local @!p0 [hbm:s0], s1  }
0x81: {  	s0 =	simm.s32 @!p0 $0x7  }
0x82: {  	_ =	swait.ge @!p0 [sflag:s0], s1  }
0x83: {  	s1 =	ssub.s32 @!p0 $0x0, s1;
	[sflag:s0] =	ssyncset.done @!p0 $0x0  }
0x84: {  	[sflag:s0] =	ssyncadd.s32 @!p0 s1  }
0x85: {  	[bflag:$0x3] =	sbarrier.arrive $0xFFFF  }
0x86: {  	_ =	shalt  }

// kernel: sparse-core-data-format-call.cloned.1.call-start
scs
called_computation_lowered:
.L_overlay_start_0:
0x0: {  	s2 =	sld [smem:$0x3FD9]  }
0x1: {  	s3 =	sld [smem:$0x3FFE];
	_ =	sdelay $0x1  }
0x2: {  	s1 =	srdreg.scid  }
0x3: {  	s0 =	sand.u32 $0x1, s1  }
0x4: {  	s18 =	sshll.u32 s0, $0xA;
	s2 =	sadd.s32 s3, s2  }
0x5: {  	s2 =	sadd.s32 s2, s18  }
0x6: {  	[smem:$0x3FC6] =	sst s2  }
0x7: {  	_ = 	snop  }
0x8: {  	s2 =	sld [smem:$0x3FD0];
	(tm) =	ssettm $0x1  }
0x9: {  	s19 =	sld [smem:$0x3FFB];
	_ =	sdelay $0x3  }
0xa: {  	_ =	strace s19  }
0xb: {  	s3 =	sld [smem:$0x3FFC];
	_ =	sdelay $0x3  }
0xc: {  	_ =	strace s3  }
0xd: {  	s3 =	sld [smem:$0x3FFD];
	_ =	sdelay $0x3  }
0xe: {  	_ =	strace s3  }
0xf: {  	_ =	strace $0x8FFFFFFF  }
0x10: {  	s20 =	sld [smem:$0x3FDB];
	_ =	sdelay $0x1  }
0x11: {  	s4 =	simm.s32 $_scs_section_size  }
0x12: {  	s5 =	simm.s32 $_size__tile_overlayer_lowered;
	s6 =	simm.s32 $_tile_overlayer_lowered  }
0x13: {  	s23 =	simm.s32 $0x1BFF;
	s22 =	sshll.u32 s6, $0x1;
	s3 =	sadd.s32 s4, s20  }
0x14: {  	s7 =	simm.s32 $0x0;
	s21 =	sshll.u32 s5, $0x1;
	s5 =	sadd.s32 s22, s3  }
0x15: {  	[timem:s7], [sflag:s23] =	dma.local [hbm:s5], s21  }
0x16: {  	_ =	swait.ge [sflag:s23], s21  }
0x17: {  	s4 =	ssub.s32 $0x0, s21;
	[sflag:s23] =	ssyncset.done $0x0  }
0x18: {  	[sflag:s23] =	ssyncadd.s32 s4;
	_ =	sdelay $0x1  }
0x19: {  	s24 =	simm.s32 $0x1B8B  }
0x1a: {  	_ =	swait.ge [sflag:s24], $0x1  }
0x1b: {  	[sflag:s24] =	ssyncset.done $0x0  }
0x1c: {  	s26 =	simm.s32 $0x1B8E;
	s25 =	sld [smem:$0x3FFE];
	[sflag:s24] =	ssyncadd.s32 $0xFFFFFFFF  }
0x1d: {  	s27 =	simm.s32 $execute0_lowered;
	[smem:$0x3FD2] =	sst s26  }
0x1e: {  	s5 =	sshll.u32 s27, $0x1;
	_ =	strace $0x80000049;
	[dreg:$0x1] =	wrdreg $0xFFFFFFFF  }
0x1f: {  	s28 =	simm.s32 $_size_execute0_lowered;
	s3 =	sadd.s32 s3, s5;
	[dreg:$0x0] =	wrdreg $0x0  }
0x20: {  	s5 =	sshll.u32 s28, $0x1;
	[dreg:$0x2] =	wrdreg s3  }
0x21: {  	[dreg:$0x3] =	wrdreg s5  }
0x22: {  	[dreg:$0x4] =	wrdreg $0xC0  }
0x23: {  	_ =	task [dreg:s7], $0x5FFFF  }
0x24: {  	[dreg:$0x1] =	wrdreg $0xFFFFFFFF  }
0x25: {  	[dreg:$0x0] =	wrdreg $0x60  }
0x26: {  	[dreg:$0x2] =	wrdreg s25  }
0x27: {  	[dreg:$0x3] =	wrdreg s2  }
0x28: {  	[dreg:$0x4] =	wrdreg $0x9  }
0x29: {  	_ =	task.clear_ibuf [dreg:s7], $0x5FFFF;
	_ =	strace $0x90000049  }
0x2a: {  	s29 =	simm.s32 $0x9;
	_ =	strace $0x8000004B  }
0x2b: {  	_ =	swait.ge [sflag:s29], $0x1  }
0x2c: {  	[sflag:s29] =	ssyncadd.s32 $0xFFFFFFFF  }
0x2d: {  	_ =	strace $0x9000004B  }
0x2e: {  	_ =	sfence  }
0x2f: {  	s30 =	sld [smem:$0x0];
	_ =	sdelay $0x2  }
0x30: {  	s31 =	sshll.u32 s1, $0xD;
	s1 =	sshrl.u32 s1, $0x2  }
0x31: {  	s3 =	sand.u32 $0x4000, s31;
	s1 =	sadd.s32 s1, s30  }
0x32: {  	s0 =	sor.u32 s3, s0;
	s1 =	sshll.u32 s1, $0x11  }
0x33: {  	s0 =	sor.u32 s1, s0  }
0x34: {  	s0 =	sadd.s32 $0x8F2B, s0  }
0x35: {  	[sflag:s0] =	ssyncadd.remote.s32 $0x1  }
0x36: {  	_ =	sfence.sel $0xFFFF  }
0x37: {  	[dreg:$0x0] =	wrdreg $0xFFFFFFFF;
	(pc) =	sbr.abs _section_cstart, $3  }
0x38: {  	[dreg:$0x1] =	wrdreg $0xFFFFFFFF  }
0x39: {  	_ =	task.clear_ibuf [dreg:s7], $0x2FFFF;
	_ =	strace $0x9FFFFFFF  }
0x3a: {  	(tm) =	ssettm $0x7FFFFFFF  }
0x3b: {  	_ =	shalt  }
tec
execute0_lowered:
.L_overlay_start_1:
0x0: {  	(tag) =	ssettag $0x1  }
0x1: {  	s0 =	srdreg.scid  }
0x2: {  	s1 =	sshll.u32 s0, $0x4  }
0x3: {  	s4 =	rddreg [dreg:$0x0];
	s0 =	stileid.u32;
	s1 =	sand.u32 $0x10, s1  }
0x4: {  	s2 =	rddreg [dreg:$0x1];
	s7 =	simm.s32 $0x1;
	s1 =	sor.u32 s0, s1  }
0x5: {  	s8 =	simm.s32 $0x2;
	s11 =	simm.s32 $0x0;
	s3 =	sshll.u32 s1, $0x7  }
0x6: {  	s10 =	simm.s32 $0x0;
	s4 =	sadd.s32 $0x400, s4;
	s6 =	ssub.s32 $0x1E8480, s3  }
.Ltmp0:
0x7: {  	s1 =	rddreg [dreg:$0x2];
	s5 =	sand.u32 $0xF80, s6;
	(pc) =	sbr.rel .LBB1_1-.Ltmp0, $4  }
0x8: {  	_ =	strace $0x8000004A;
	s9 =	smov.u32 s3;
	p0 =	sne.s32 s5, $0x0  }
0x9: {  	s6 =	sshrl.u32 s6, $0xC;
	s5 =	simm.s32 $0x1;
	s7 =	simm.s32 @!p0 $0x0  }
0xa: {  	[sflag:s5] =	ssyncpa.u1 $0x0;
	p0 =	por $0x0, $0x0;
	s6 =	sadd.s32 s7, s6  }
0xb: {  	[sflag:s8] =	ssyncpa.u1 $0x0;
	s8 =	simm.s32 $0xF42400;
	s7 =	sadd.s32 $0x1, s6  }
.LBB1_4:
0xc: {  	s14 =	sshll.u32 s11, $0x3  }
0xd: {  	s30 =	sand.u32 $0x7F, s11;
	s14 =	sand.u32 $0xFFFFFC00, s14  }
0xe: {  	s11 =	sor.u32 s30, s14  }
0xf: {  	s15 =	smulhi.u32 $0x431BDE83, s11;
	_ =	sdelay $0x1  }
0x10: {  	s14 =	smulhi.u32 $0x431BDE83, s14;
	s15 =	sshrl.u32 s15, $0x13  }
0x11: {  	s15 =	smul.u32 $0x1E8480, s15  }
0x12: {  	s14 =	sshrl.u32 s14, $0x13  }
0x13: {  	s14 =	sand.u32 $0x1F, s14;
	s11 =	ssub.s32 s11, s15  }
0x14: {  	s14 =	smul.u32 $0x3D090, s14;
	s15 =	sshrl.u32 s11, $0x3;
	s11 =	sand.u32 $0x7, s11  }
0x15: {  	s15 =	sadd.s32 s2, s15;
	s11 =	sshll.u32 s11, $0x12  }
0x16: {  	[tilespmem:s13+$0x0 ss:$0x81] =	vst.msk $0xffff, v0;
	s31 =	sadd.s32 s14, s15;
	s11 =	sor.u32 $0x400, s11  }
0x17: {  	[hbm4b:s31+s11] =	stream.strided.scatter [tilespmem:s12], [sflag:$0x2], $0x1000, s8, s11, $0x20;
	[tilespmem:$0x4040] =	vst v63  }
.LBB1_5:
0x18: {  	s13 =	sadd.s32 $0x1000, s9  }
0x19: {  	p2 =	sgt.s32 s13, $0x1E847F  }
0x1a: {  	s13 =	smov.u32 @p2 s3;
	p2 =	sne.s32 s10, s7  }
.Ltmp1:
0x1b: {  	p1 =	slt.u32 s10, $0x2;
	(pc) =	sbr.rel @!p2 .LBB1_6-.Ltmp1, $4  }
0x1c: {  	s12 =	simm.s32 @!p1 $0x2  }
0x1d: {  	s14 =	sadd.s32 $0x1, s10;
	_ =	swait.ge @!p1 [sflag:s12], $0x1000  }
0x1e: {  	s11 =	smov.u32 s9;
	p0 =	por !p0, !p0;
	[sflag:s12] =	ssyncset.done @!p1 $0x0  }
0x1f: {  	s10 =	smov.u32 s14;
	s9 =	smov.u32 s13;
	[sflag:s12] =	ssyncadd.s32 @!p1 $0xFFFFF000  }
.LBB1_1:
0x20: {  	p1 =	sge.u32 s10, s6  }
0x21: {  	s12 =	sand.u32 @!p1 $0x1FFFFFF, s9  }
0x22: {  	s13 =	smulhi.u32 @!p1 $0x218DEF5, s12;
	_ =	sdelay $0x1  }
0x23: {  	s13 =	sshrl.u32 @!p1 s13, $0xE  }
0x24: {  	s13 =	smul.u32 @!p1 $0x1E8480, s13;
	_ =	sdelay $0x1  }
0x25: {  	s31 =	sadd.s32 $0xFFFFFFFF, s10;
	s14 =	sxor.u32 @!p1 $0xFFFFFFFF, s10;
	s12 =	ssub.s32 @!p1 s12, s13  }
0x26: {  	s15 =	simm.s32 @!p1 $0x80;
	s14 =	sshll.u32 @!p1 s14, $0xC;
	s12 =	sshll.u32 @!p1 s12, $0x4  }
0x27: {  	s13 =	sand.u32 @!p1 $0x1000, s14;
	s14 =	simm.s32 @!p1 $0x20;
	s12 =	sadd.s32 @!p1 s4, s12  }
0x28: {  	[tilespmem:s13], [sflag:$0x1] =	stream.strided.gather @!p1 [hbm4b:s12+s14], $0x1000, s15, s14, $0x38;
	[tilespmem:$0x4040] =	vst v63  }
0x29: {  	p1 =	sge.u32 s31, s6  }
.Ltmp2:
0x2a: {  	_ = 	snop;
	(pc) =	sbr.rel @p1 .LBB1_5-.Ltmp2, $1  }
0x2b: {  	_ =	sdelay $0x3  }
0x2c: {  	s12 =	simm.s32 $0x1  }
0x2d: {  	_ =	swait.ge [sflag:s5], $0x1000;
	s12 =	simm.s32 @!p0 $0x0  }
0x2e: {  	[sflag:s5] =	ssyncset.done $0x0;
	s13 =	sshll.u32 s12, $0xC  }
0x2f: {  	[sflag:s5] =	ssyncadd.s32 $0xFFFFF000;
	s16 =	sor.u32 $0x10, s13  }
0x30: {  	s12 =	smul.u32 $0x4080, s12;
	v1 =	vld [tilespmem:s16+$0x0]  }
0x31: {  	s30 =	sand.u32 $0x1, s10;
	v0 =	vld [tilespmem:s16+$0xFFFFFFF0]  }
0x32: {  	s13 =	smul.u32 $0x4080, s30;
	s12 =	sshrl.u32 s12, $0x2  }
0x33: {  	s14 =	sor.u32 $0x2000, s12  }
0x34: {  	s31 =	sshrl.u32 s13, $0x2;
	s13 =	sadd.s32 $0x0, s14  }
0x35: {  	s15 =	simm.s32 $0x4;
	s16 =	sadd.s32 $0x20, s16;
	s12 =	sor.u32 $0x2000, s31;
	[tilespmem:s13+$0x810 ss:$0x81] =	vst.msk $0xffff, v1  }
.LBB1_3:
0x36: {  	v1 =	vld [tilespmem:s16+$0x0];
	p1 =	sne.s32 s15, $0x1FC;
	[tilespmem:s13+$0x0 ss:$0x81] =	vst.msk $0xffff, v0;
	s13 =	smov.u32 s15;
	s15 =	sadd.s32 $0x4, s15  }
.Ltmp3:
0x37: {  	v0 =	vld [tilespmem:s16+$0xFFFFFFF0];
	(pc) =	sbr.rel @p1 .LBB1_3-.Ltmp3, $4  }
0x38: {  	_ = 	snop  }
0x39: {  	s13 =	sshra.s32 s13, $0x2  }
0x3a: {  	s13 =	sadd.s32 s13, s14  }
0x3b: {  	s16 =	sadd.s32 $0x20, s16;
	[tilespmem:s13+$0x810 ss:$0x81] =	vst.msk $0xffff, v1  }
.Ltmp4:
0x3c: {  	_ = 	snop;
	(pc) =	sbr.rel .LBB1_4-.Ltmp4, $1  }
0x3d: {  	_ =	sdelay $0x3  }
.LBB1_6:
0x3e: {  	_ =	sfence.sel $0x180000  }
0x3f: {  	s2 =	simm.s32 $0x1;
	[bflag:$0x0] =	sbarrier.arrive $0xFFFF  }
0x40: {  	s31 =	simm.s32 $0x2;
	[sflag:s2] =	ssyncpa.u1 $0x1  }
0x41: {  	[sflag:s31] =	ssyncpa.u1 $0x1  }
0x42: {  	p0 =	sne.s32 s0, $0x0;
	_ =	strace $0x9000004A  }
0x43: {  	s0 =	sadd.s32 @!p0 $0x100000, s1;
	[bflag:$0x2] =	sbarrier.arrive $0xFFFF  }
0x44: {  	[sflag:s0] =	ssyncadd.tile.s32 @!p0 $0x1;
	_ =	shalt  }
.Lfunc_end1:
_tile_overlayer_lowered:
.L_overlay_start_2:
0x45: {  	(tag) =	ssettag $0x2  }
0x46: {  	s0 =	rddreg [dreg:$0x0];
	s2 =	stileid.u32  }
0x47: {  	s1 =	rddreg [dreg:$0x1];
	p0 =	sne.s32 s2, $0x0  }
0x48: {  	s3 =	rddreg [dreg:$0x2];
	[bflag:$0x3] =	sbarrier.arrive $0xFFFF;
	s2 =	simm.s32 @!p0 $0x1C01  }
0x49: {  	[timem:s3], [sflag:s2] =	dma.local @!p0 [hbm:s0], s1  }
0x4a: {  	s0 =	simm.s32 @!p0 $0x1  }
0x4b: {  	_ =	swait.ge @!p0 [sflag:s0], s1  }
0x4c: {  	s1 =	ssub.s32 @!p0 $0x0, s1;
	[sflag:s0] =	ssyncset.done @!p0 $0x0  }
0x4d: {  	[sflag:s0] =	ssyncadd.s32 @!p0 s1  }
0x4e: {  	[bflag:$0x3] =	sbarrier.arrive $0xFFFF  }
0x4f: {  	_ =	shalt  }

</sc_bundles>
